<compile_context>
chip_gen: v7x
topology: tpu7x:2x2x1
jax: 0.10.2.dev20260603
libtpu: 0.0.44.dev20260713+nightly
codegen_flags: <defaults>
</compile_context>

<pallas_src>
import functools

import numpy as np

import jax
import jax.numpy as jnp
from jax import lax
from jax.experimental import pallas as pl
from jax.experimental.pallas import tpu as pltpu
from jax.experimental.pallas import tpu_sc as plsc

_N = 10000
_E = 320000
_C = 128
_K = 128
_NC = 2
_NS = 16
_NW = _NC * _NS
_EPT = _E // _NW
_CPT = -(-_EPT // _K)
_EPTP = _CPT * _K
_RPT = 624
_TAIL = _N - _RPT * _NS

_mesh = plsc.VectorSubcoreMesh(core_axis_name="c", subcore_axis_name="s")


@functools.partial(
    pl.kernel,
    out_type=jax.ShapeDtypeStruct((_NC, _N, _C), jnp.float32),
    mesh=_mesh,
    scratch_types=[
        pltpu.VMEM((1, _EPTP), jnp.int32),
        pltpu.VMEM((1, _EPTP), jnp.int32),
        pltpu.VMEM((_K, _C), jnp.float32),
        pltpu.VMEM_SHARED((_N + 8, _C), jnp.float32),
        pltpu.SemaphoreType.DMA,
    ],
)
def _aggregate(h_hbm, src_hbm, dst_hbm, out_hbm, src_v, dst_v, rows_v, acc, sem):
    cid = lax.axis_index("c")
    sid = lax.axis_index("s")
    wid = cid * jnp.int32(_NS) + sid
    row0 = sid * jnp.int32(_RPT)

    pltpu.sync_copy(src_hbm.at[wid], src_v)
    pltpu.sync_copy(dst_hbm.at[wid], dst_v)

    pltpu.sync_copy(h_hbm.at[pl.ds(row0, _RPT)],
                    acc.at[pl.ds(row0, _RPT)])

    @pl.when(sid == 0)
    def _():
        pltpu.sync_copy(h_hbm.at[pl.ds(_RPT * _NS, _TAIL)],
                        acc.at[pl.ds(_RPT * _NS, _TAIL)])

    plsc.subcore_barrier()

    zero = jnp.int32(0)

    def body(j, _):
        off = j * jnp.int32(_K)
        pltpu.async_copy(h_hbm.at[src_v.at[zero, pl.ds(off, _K)]], rows_v, sem).wait()
        pltpu.sync_copy(rows_v, acc.at[dst_v.at[zero, pl.ds(off, _K)]], add=True)
        return j + jnp.int32(1), None

    lax.scan(body, jnp.int32(0), None, length=_CPT)

    plsc.subcore_barrier()

    pltpu.sync_copy(acc.at[pl.ds(row0, _RPT)],
                    out_hbm.at[cid, pl.ds(row0, _RPT)])

    @pl.when(sid == 0)
    def _():
        pltpu.sync_copy(acc.at[pl.ds(_RPT * _NS, _TAIL)],
                        out_hbm.at[cid, pl.ds(_RPT * _NS, _TAIL)])


_BLK = 400


def _zero():
    return jnp.int32(0)


def _mm_body(p_ref, h_ref, w_ref, o_ref):
    a = p_ref[0] + p_ref[1] - h_ref[...]
    o_ref[...] = jnp.maximum(
        lax.dot_general(a, w_ref[...], (((1,), (1,)), ((), ())),
                        preferred_element_type=jnp.float32,
                        precision=lax.Precision.HIGHEST),
        0.0)


def _mm(parts, h, w):
    return pl.pallas_call(
        _mm_body,
        grid=(_N // _BLK,),
        in_specs=[
            pl.BlockSpec((_NC, _BLK, _C), lambda i: (_zero(), i, _zero())),
            pl.BlockSpec((_BLK, _C), lambda i: (i, _zero())),
            pl.BlockSpec((_C, _C), lambda i: (_zero(), _zero())),
        ],
        out_specs=pl.BlockSpec((_BLK, _C), lambda i: (i, _zero())),
        out_shape=jax.ShapeDtypeStruct((_N, _C), jnp.float32),
    )(parts, h, w)


def kernel(x, edge_index, W1, W2):
    x = x.astype(jnp.float32)
    pad = ((0, 0), (0, _EPTP - _EPT))
    src = jnp.pad(edge_index[0].astype(jnp.int32).reshape(_NW, _EPT), pad,
                  constant_values=0).reshape(_NW, 1, _EPTP)
    dst = jnp.pad(edge_index[1].astype(jnp.int32).reshape(_NW, _EPT), pad,
                  constant_values=_N).reshape(_NW, 1, _EPTP)
    w1 = W1.astype(jnp.float32)
    w2 = W2.astype(jnp.float32)
    p1 = _aggregate(x, src, dst)
    h1 = _mm(p1, x, w1)
    p2 = _aggregate(h1, src, dst)
    h2 = _mm(p2, h1, w2)
    return h2.astype(jnp.float64)

# --- scband reference (transcript-rebuilt; emitter-appended) ---
"""Pipeline reference for scband-basic-gnn-59193239273688 (READ-ONLY COPY).

The authoritative reference and input builder live on the scoring server;
editing this copy changes nothing except your own understanding.
"""

import jax
jax.config.update('jax_enable_x64', True)
import jax.numpy as jnp
import numpy as np

N = 10000
E = 320000
IN_CH = 128
HIDDEN = 128
OUT_CH = 128


def setup_inputs(seed: int = 0) -> dict:
    key = jax.random.key(seed)
    k1, k2, k3, k4 = jax.random.split(key, 4)
    x = jax.random.normal(k1, (N, IN_CH), dtype=jnp.float32)
    edge_index = jax.random.randint(k2, (2, E), 0, N, dtype=jnp.int64)
    # nn.Linear(in, out, bias=False) weight has shape [out, in]
    W1 = jax.random.normal(k3, (HIDDEN, IN_CH), dtype=jnp.float32) * (1.0 / np.sqrt(IN_CH))
    W2 = jax.random.normal(k4, (OUT_CH, HIDDEN), dtype=jnp.float32) * (1.0 / np.sqrt(HIDDEN))
    return {"x": x, "edge_index": edge_index, "W1": W1, "W2": W2}


def _basic_conv(h, edge_index, W):
    # add_self_loops
    n = h.shape[0]
    loops = jnp.arange(n, dtype=edge_index.dtype)
    src = jnp.concatenate([edge_index[0], loops])
    dst = jnp.concatenate([edge_index[1], loops])
    # message: x_j = h[src]; aggr='sum' scatter-add into dst
    msgs = jnp.take(h, src, axis=0)
    aggr = jax.ops.segment_sum(msgs, dst, num_segments=n)
    # update: relu(Linear(aggr))
    return jax.nn.relu(aggr @ W.T)


def reference(x, edge_index, W1, W2):
    h1 = _basic_conv(x, edge_index, W1)
    h2 = _basic_conv(h1, edge_index, W2)
    return h2

if __name__ == "__main__":
    import jax
    _d = setup_inputs()
    print(jax.jit(kernel)(*tuple(_d.values())))

</pallas_src>

<mosaic_0001>
#map = affine_map<(d0, d1) -> (0, 0)>
#map1 = affine_map<(d0, d1) -> (0, 0, 0)>
module attributes {stable_mosaic.version = 14 : i64} {
  func.func @_aggregate(%arg0: i32, %arg1: i32, %arg2: memref<10000x128xf32, #tpu.memory_space<hbm>>, %arg3: memref<32x1x10112xi32, #tpu.memory_space<hbm>>, %arg4: memref<32x1x10112xi32, #tpu.memory_space<hbm>>, %arg5: memref<2x10000x128xf32, #tpu.memory_space<hbm>>, %arg6: memref<1x10112xi32, #tpu.memory_space<vmem>>, %arg7: memref<1x10112xi32, #tpu.memory_space<vmem>>, %arg8: memref<128x128xf32, #tpu.memory_space<vmem>>, %arg9: memref<10008x128xf32, #tpu.memory_space<vmem_shared>>, %arg10: memref<!tpu.dma_semaphore, #tpu.memory_space<semaphore_mem>>) attributes {dimension_semantics = [#tpu.dimension_semantics<core_parallel>, #tpu.dimension_semantics<subcore_parallel>], iteration_bounds = array<i64: 2, 16>, scalar_prefetch = 0 : i64, scratch_operands = 5 : i64, tpu.core_type = #tpu.core_type<sc_vector_subcore>, window_params = [{transform_indices = #map}, {transform_indices = #map1}, {transform_indices = #map1}, {transform_indices = #map1}]} {
    %mul3A = arith.constant 16 : i32
    %mul3A_0 = arith.muli %arg0, %mul3A : i32
    %add3A = arith.addi %mul3A_0, %arg1 : i32
    %mul3A_1 = arith.constant 624 : i32
    %mul3A_2 = arith.muli %arg1, %mul3A_1 : i32
    "tpu.region"() ({
      %run_scoped3A = tpu.sem_alloc : memref<!tpu.dma_semaphore, #tpu.memory_space<semaphore_mem>>
      %dma_start3A = arith.constant 0 : i32
      %dma_start3A_16 = arith.constant 0 : i32
      %dma_start3A_17 = tpu.memref_slice %arg3[%add3A, %dma_start3A, %dma_start3A_16] : memref<32x1x10112xi32, #tpu.memory_space<hbm>> -> memref<1x1x10112xi32, #tpu.memory_space<hbm>>
      %dma_start3A_18 = tpu.memref_squeeze %dma_start3A_17 : memref<1x1x10112xi32, #tpu.memory_space<hbm>> -> memref<1x10112xi32, #tpu.memory_space<hbm>>
      %dma_start3A_19 = arith.constant 0 : i32
      %dma_start3A_20 = arith.constant 0 : i32
      %dma_start3A_21 = tpu.memref_slice %arg3[%add3A, %dma_start3A_19, %dma_start3A_20] : memref<32x1x10112xi32, #tpu.memory_space<hbm>> -> memref<1x1x10112xi32, #tpu.memory_space<hbm>>
      %dma_start3A_22 = tpu.memref_squeeze %dma_start3A_21 : memref<1x1x10112xi32, #tpu.memory_space<hbm>> -> memref<1x10112xi32, #tpu.memory_space<hbm>>
      tpu.enqueue_dma source(%dma_start3A_22 : memref<1x10112xi32, #tpu.memory_space<hbm>>) target(%arg6 : memref<1x10112xi32, #tpu.memory_space<vmem>>) target_semaphore(%run_scoped3A : memref<!tpu.dma_semaphore, #tpu.memory_space<semaphore_mem>>)
      %dma_wait3A = arith.constant 0 : i32
      %dma_wait3A_23 = arith.constant 0 : i32
      %dma_wait3A_24 = tpu.memref_slice %arg3[%add3A, %dma_wait3A, %dma_wait3A_23] : memref<32x1x10112xi32, #tpu.memory_space<hbm>> -> memref<1x1x10112xi32, #tpu.memory_space<hbm>>
      %dma_wait3A_25 = tpu.memref_squeeze %dma_wait3A_24 : memref<1x1x10112xi32, #tpu.memory_space<hbm>> -> memref<1x10112xi32, #tpu.memory_space<hbm>>
      %dma_wait3A_26 = arith.constant 0 : i32
      %dma_wait3A_27 = arith.constant 0 : i32
      %dma_wait3A_28 = tpu.memref_slice %arg3[%add3A, %dma_wait3A_26, %dma_wait3A_27] : memref<32x1x10112xi32, #tpu.memory_space<hbm>> -> memref<1x1x10112xi32, #tpu.memory_space<hbm>>
      %dma_wait3A_29 = tpu.memref_squeeze %dma_wait3A_28 : memref<1x1x10112xi32, #tpu.memory_space<hbm>> -> memref<1x10112xi32, #tpu.memory_space<hbm>>
      tpu.wait_dma2 semaphore(%run_scoped3A : memref<!tpu.dma_semaphore, #tpu.memory_space<semaphore_mem>>) src(%dma_wait3A_29 : memref<1x10112xi32, #tpu.memory_space<hbm>>) dst(%arg6 : memref<1x10112xi32, #tpu.memory_space<vmem>>)
      tpu.yield
    }) : () -> ()
    "tpu.region"() ({
      %run_scoped3A = tpu.sem_alloc : memref<!tpu.dma_semaphore, #tpu.memory_space<semaphore_mem>>
      %dma_start3A = arith.constant 0 : i32
      %dma_start3A_16 = arith.constant 0 : i32
      %dma_start3A_17 = tpu.memref_slice %arg4[%add3A, %dma_start3A, %dma_start3A_16] : memref<32x1x10112xi32, #tpu.memory_space<hbm>> -> memref<1x1x10112xi32, #tpu.memory_space<hbm>>
      %dma_start3A_18 = tpu.memref_squeeze %dma_start3A_17 : memref<1x1x10112xi32, #tpu.memory_space<hbm>> -> memref<1x10112xi32, #tpu.memory_space<hbm>>
      %dma_start3A_19 = arith.constant 0 : i32
      %dma_start3A_20 = arith.constant 0 : i32
      %dma_start3A_21 = tpu.memref_slice %arg4[%add3A, %dma_start3A_19, %dma_start3A_20] : memref<32x1x10112xi32, #tpu.memory_space<hbm>> -> memref<1x1x10112xi32, #tpu.memory_space<hbm>>
      %dma_start3A_22 = tpu.memref_squeeze %dma_start3A_21 : memref<1x1x10112xi32, #tpu.memory_space<hbm>> -> memref<1x10112xi32, #tpu.memory_space<hbm>>
      tpu.enqueue_dma source(%dma_start3A_22 : memref<1x10112xi32, #tpu.memory_space<hbm>>) target(%arg7 : memref<1x10112xi32, #tpu.memory_space<vmem>>) target_semaphore(%run_scoped3A : memref<!tpu.dma_semaphore, #tpu.memory_space<semaphore_mem>>)
      %dma_wait3A = arith.constant 0 : i32
      %dma_wait3A_23 = arith.constant 0 : i32
      %dma_wait3A_24 = tpu.memref_slice %arg4[%add3A, %dma_wait3A, %dma_wait3A_23] : memref<32x1x10112xi32, #tpu.memory_space<hbm>> -> memref<1x1x10112xi32, #tpu.memory_space<hbm>>
      %dma_wait3A_25 = tpu.memref_squeeze %dma_wait3A_24 : memref<1x1x10112xi32, #tpu.memory_space<hbm>> -> memref<1x10112xi32, #tpu.memory_space<hbm>>
      %dma_wait3A_26 = arith.constant 0 : i32
      %dma_wait3A_27 = arith.constant 0 : i32
      %dma_wait3A_28 = tpu.memref_slice %arg4[%add3A, %dma_wait3A_26, %dma_wait3A_27] : memref<32x1x10112xi32, #tpu.memory_space<hbm>> -> memref<1x1x10112xi32, #tpu.memory_space<hbm>>
      %dma_wait3A_29 = tpu.memref_squeeze %dma_wait3A_28 : memref<1x1x10112xi32, #tpu.memory_space<hbm>> -> memref<1x10112xi32, #tpu.memory_space<hbm>>
      tpu.wait_dma2 semaphore(%run_scoped3A : memref<!tpu.dma_semaphore, #tpu.memory_space<semaphore_mem>>) src(%dma_wait3A_29 : memref<1x10112xi32, #tpu.memory_space<hbm>>) dst(%arg7 : memref<1x10112xi32, #tpu.memory_space<vmem>>)
      tpu.yield
    }) : () -> ()
    "tpu.region"() ({
      %run_scoped3A = tpu.sem_alloc : memref<!tpu.dma_semaphore, #tpu.memory_space<semaphore_mem>>
      %dma_start3A = arith.constant 0 : i32
      %dma_start3A_16 = tpu.memref_slice %arg9[%mul3A_2, %dma_start3A] : memref<10008x128xf32, #tpu.memory_space<vmem_shared>> -> memref<624x128xf32, #tpu.memory_space<vmem_shared>>
      %dma_start3A_17 = arith.constant 0 : i32
      %dma_start3A_18 = tpu.memref_slice %arg2[%mul3A_2, %dma_start3A_17] : memref<10000x128xf32, #tpu.memory_space<hbm>> -> memref<624x128xf32, #tpu.memory_space<hbm>>
      tpu.enqueue_dma source(%dma_start3A_18 : memref<624x128xf32, #tpu.memory_space<hbm>>) target(%dma_start3A_16 : memref<624x128xf32, #tpu.memory_space<vmem_shared>>) target_semaphore(%run_scoped3A : memref<!tpu.dma_semaphore, #tpu.memory_space<semaphore_mem>>)
      %dma_wait3A = arith.constant 0 : i32
      %dma_wait3A_19 = tpu.memref_slice %arg9[%mul3A_2, %dma_wait3A] : memref<10008x128xf32, #tpu.memory_space<vmem_shared>> -> memref<624x128xf32, #tpu.memory_space<vmem_shared>>
      %dma_wait3A_20 = arith.constant 0 : i32
      %dma_wait3A_21 = tpu.memref_slice %arg2[%mul3A_2, %dma_wait3A_20] : memref<10000x128xf32, #tpu.memory_space<hbm>> -> memref<624x128xf32, #tpu.memory_space<hbm>>
      tpu.wait_dma2 semaphore(%run_scoped3A : memref<!tpu.dma_semaphore, #tpu.memory_space<semaphore_mem>>) src(%dma_wait3A_21 : memref<624x128xf32, #tpu.memory_space<hbm>>) dst(%dma_wait3A_19 : memref<624x128xf32, #tpu.memory_space<vmem_shared>>)
      tpu.yield
    }) : () -> ()
    %eq3A = arith.constant 0 : i32
    %eq3A_3 = arith.cmpi eq, %arg1, %eq3A : i32
    %convert_element_type3A = arith.extui %eq3A_3 : i1 to i32
    %cond3A = arith.constant 0 : i32
    %cond3A_4 = arith.cmpi ne, %convert_element_type3A, %cond3A : i32
    scf.if %cond3A_4 {
      "tpu.region"() ({
        %run_scoped3A = tpu.sem_alloc : memref<!tpu.dma_semaphore, #tpu.memory_space<semaphore_mem>>
        %dma_start3A = arith.constant 9984 : i32
        %dma_start3A_16 = arith.constant 0 : i32
        %dma_start3A_17 = tpu.memref_slice %arg9[%dma_start3A, %dma_start3A_16] : memref<10008x128xf32, #tpu.memory_space<vmem_shared>> -> memref<16x128xf32, #tpu.memory_space<vmem_shared>>
        %dma_start3A_18 = arith.constant 9984 : i32
        %dma_start3A_19 = arith.constant 0 : i32
        %dma_start3A_20 = tpu.memref_slice %arg2[%dma_start3A_18, %dma_start3A_19] : memref<10000x128xf32, #tpu.memory_space<hbm>> -> memref<16x128xf32, #tpu.memory_space<hbm>>
        tpu.enqueue_dma source(%dma_start3A_20 : memref<16x128xf32, #tpu.memory_space<hbm>>) target(%dma_start3A_17 : memref<16x128xf32, #tpu.memory_space<vmem_shared>>) target_semaphore(%run_scoped3A : memref<!tpu.dma_semaphore, #tpu.memory_space<semaphore_mem>>)
        %dma_wait3A = arith.constant 9984 : i32
        %dma_wait3A_21 = arith.constant 0 : i32
        %dma_wait3A_22 = tpu.memref_slice %arg9[%dma_wait3A, %dma_wait3A_21] : memref<10008x128xf32, #tpu.memory_space<vmem_shared>> -> memref<16x128xf32, #tpu.memory_space<vmem_shared>>
        %dma_wait3A_23 = arith.constant 9984 : i32
        %dma_wait3A_24 = arith.constant 0 : i32
        %dma_wait3A_25 = tpu.memref_slice %arg2[%dma_wait3A_23, %dma_wait3A_24] : memref<10000x128xf32, #tpu.memory_space<hbm>> -> memref<16x128xf32, #tpu.memory_space<hbm>>
        tpu.wait_dma2 semaphore(%run_scoped3A : memref<!tpu.dma_semaphore, #tpu.memory_space<semaphore_mem>>) src(%dma_wait3A_25 : memref<16x128xf32, #tpu.memory_space<hbm>>) dst(%dma_wait3A_22 : memref<16x128xf32, #tpu.memory_space<vmem_shared>>)
        tpu.yield
      }) : () -> ()
    } else {
    }
    %barrier3A = arith.constant 0 : index
    tpu.barrier barrier_id(%barrier3A)
    %scan3A = arith.constant 0 : i32
    %scan3A_5 = arith.constant 0 : i32
    %scan3A_6 = arith.constant 79 : i32
    %scan3A_7 = arith.addi %scan3A_5, %scan3A_6 : i32
    %scan3A_8 = arith.constant 1 : i32
    scf.for %scan3A_16 = %scan3A_5 to %scan3A_7 step %scan3A_8  : i32 {
      %mul3A_17 = arith.constant 128 : i32
      %mul3A_18 = arith.muli %scan3A_16, %mul3A_17 : i32
      %dma_start3A = tpu.memref_slice %arg6[%scan3A, %mul3A_18] : memref<1x10112xi32, #tpu.memory_space<vmem>> -> memref<1x128xi32, #tpu.memory_space<vmem>>
      %dma_start3A_19 = tpu.memref_squeeze %dma_start3A : memref<1x128xi32, #tpu.memory_space<vmem>> -> memref<128xi32, #tpu.memory_space<vmem>>
      %dma_start3A_20 = arith.constant 0 : i32
      %dma_start3A_21 = arith.constant 0 : i32
      %dma_start3A_22 = tpu.memref_slice %arg2[%dma_start3A_20, %dma_start3A_21] : memref<10000x128xf32, #tpu.memory_space<hbm>> -> memref<10000x128xf32, #tpu.memory_space<hbm>>
      tpu.enqueue_indirect_dma source(%dma_start3A_22 : memref<10000x128xf32, #tpu.memory_space<hbm>>) target(%arg8 : memref<128x128xf32, #tpu.memory_space<vmem>>) offsets(%dma_start3A_19 : memref<128xi32, #tpu.memory_space<vmem>>) semaphore(%arg10 : memref<!tpu.dma_semaphore, #tpu.memory_space<semaphore_mem>>)
      %dma_wait3A = tpu.memref_slice %arg6[%scan3A, %mul3A_18] : memref<1x10112xi32, #tpu.memory_space<vmem>> -> memref<1x128xi32, #tpu.memory_space<vmem>>
      %dma_wait3A_23 = tpu.memref_squeeze %dma_wait3A : memref<1x128xi32, #tpu.memory_space<vmem>> -> memref<128xi32, #tpu.memory_space<vmem>>
      %dma_wait3A_24 = arith.constant 0 : i32
      %dma_wait3A_25 = arith.constant 0 : i32
      %dma_wait3A_26 = tpu.memref_slice %arg2[%dma_wait3A_24, %dma_wait3A_25] : memref<10000x128xf32, #tpu.memory_space<hbm>> -> memref<10000x128xf32, #tpu.memory_space<hbm>>
      tpu.wait_indirect_dma semaphore(%arg10 : memref<!tpu.dma_semaphore, #tpu.memory_space<semaphore_mem>>) src(%dma_wait3A_26 : memref<10000x128xf32, #tpu.memory_space<hbm>>) dst(%arg8 : memref<128x128xf32, #tpu.memory_space<vmem>>)
      "tpu.region"() ({
        %run_scoped3A = tpu.sem_alloc : memref<!tpu.dma_semaphore, #tpu.memory_space<semaphore_mem>>
        %dma_start3A_27 = tpu.memref_slice %arg7[%scan3A, %mul3A_18] : memref<1x10112xi32, #tpu.memory_space<vmem>> -> memref<1x128xi32, #tpu.memory_space<vmem>>
        %dma_start3A_28 = tpu.memref_squeeze %dma_start3A_27 : memref<1x128xi32, #tpu.memory_space<vmem>> -> memref<128xi32, #tpu.memory_space<vmem>>
        %dma_start3A_29 = arith.constant 0 : i32
        %dma_start3A_30 = arith.constant 0 : i32
        %dma_start3A_31 = tpu.memref_slice %arg9[%dma_start3A_29, %dma_start3A_30] : memref<10008x128xf32, #tpu.memory_space<vmem_shared>> -> memref<10008x128xf32, #tpu.memory_space<vmem_shared>>
        tpu.enqueue_indirect_dma source(%arg8 : memref<128x128xf32, #tpu.memory_space<vmem>>) target(%dma_start3A_31 : memref<10008x128xf32, #tpu.memory_space<vmem_shared>>) offsets(%dma_start3A_28 : memref<128xi32, #tpu.memory_space<vmem>>) semaphore(%run_scoped3A : memref<!tpu.dma_semaphore, #tpu.memory_space<semaphore_mem>>) {add = true}
        %dma_wait3A_32 = tpu.memref_slice %arg7[%scan3A, %mul3A_18] : memref<1x10112xi32, #tpu.memory_space<vmem>> -> memref<1x128xi32, #tpu.memory_space<vmem>>
        %dma_wait3A_33 = tpu.memref_squeeze %dma_wait3A_32 : memref<1x128xi32, #tpu.memory_space<vmem>> -> memref<128xi32, #tpu.memory_space<vmem>>
        %dma_wait3A_34 = arith.constant 0 : i32
        %dma_wait3A_35 = arith.constant 0 : i32
        %dma_wait3A_36 = tpu.memref_slice %arg9[%dma_wait3A_34, %dma_wait3A_35] : memref<10008x128xf32, #tpu.memory_space<vmem_shared>> -> memref<10008x128xf32, #tpu.memory_space<vmem_shared>>
        tpu.wait_indirect_dma semaphore(%run_scoped3A : memref<!tpu.dma_semaphore, #tpu.memory_space<semaphore_mem>>) src(%arg8 : memref<128x128xf32, #tpu.memory_space<vmem>>) dst(%dma_wait3A_36 : memref<10008x128xf32, #tpu.memory_space<vmem_shared>>)
        tpu.yield
      }) : () -> ()
    }
    %scan3A_9 = arith.constant 79 : i32
    %barrier3A_10 = arith.constant 0 : index
    tpu.barrier barrier_id(%barrier3A_10)
    "tpu.region"() ({
      %run_scoped3A = tpu.sem_alloc : memref<!tpu.dma_semaphore, #tpu.memory_space<semaphore_mem>>
      %dma_start3A = arith.constant 0 : i32
      %dma_start3A_16 = tpu.memref_slice %arg5[%arg0, %mul3A_2, %dma_start3A] : memref<2x10000x128xf32, #tpu.memory_space<hbm>> -> memref<1x624x128xf32, #tpu.memory_space<hbm>>
      %dma_start3A_17 = tpu.memref_squeeze %dma_start3A_16 : memref<1x624x128xf32, #tpu.memory_space<hbm>> -> memref<624x128xf32, #tpu.memory_space<hbm>>
      %dma_start3A_18 = arith.constant 0 : i32
      %dma_start3A_19 = tpu.memref_slice %arg9[%mul3A_2, %dma_start3A_18] : memref<10008x128xf32, #tpu.memory_space<vmem_shared>> -> memref<624x128xf32, #tpu.memory_space<vmem_shared>>
      tpu.enqueue_dma source(%dma_start3A_19 : memref<624x128xf32, #tpu.memory_space<vmem_shared>>) target(%dma_start3A_17 : memref<624x128xf32, #tpu.memory_space<hbm>>) target_semaphore(%run_scoped3A : memref<!tpu.dma_semaphore, #tpu.memory_space<semaphore_mem>>)
      %dma_wait3A = arith.constant 0 : i32
      %dma_wait3A_20 = tpu.memref_slice %arg5[%arg0, %mul3A_2, %dma_wait3A] : memref<2x10000x128xf32, #tpu.memory_space<hbm>> -> memref<1x624x128xf32, #tpu.memory_space<hbm>>
      %dma_wait3A_21 = tpu.memref_squeeze %dma_wait3A_20 : memref<1x624x128xf32, #tpu.memory_space<hbm>> -> memref<624x128xf32, #tpu.memory_space<hbm>>
      %dma_wait3A_22 = arith.constant 0 : i32
      %dma_wait3A_23 = tpu.memref_slice %arg9[%mul3A_2, %dma_wait3A_22] : memref<10008x128xf32, #tpu.memory_space<vmem_shared>> -> memref<624x128xf32, #tpu.memory_space<vmem_shared>>
      tpu.wait_dma2 semaphore(%run_scoped3A : memref<!tpu.dma_semaphore, #tpu.memory_space<semaphore_mem>>) src(%dma_wait3A_23 : memref<624x128xf32, #tpu.memory_space<vmem_shared>>) dst(%dma_wait3A_21 : memref<624x128xf32, #tpu.memory_space<hbm>>)
      tpu.yield
    }) : () -> ()
    %eq3A_11 = arith.constant 0 : i32
    %eq3A_12 = arith.cmpi eq, %arg1, %eq3A_11 : i32
    %convert_element_type3A_13 = arith.extui %eq3A_12 : i1 to i32
    %cond3A_14 = arith.constant 0 : i32
    %cond3A_15 = arith.cmpi ne, %convert_element_type3A_13, %cond3A_14 : i32
    scf.if %cond3A_15 {
      "tpu.region"() ({
        %run_scoped3A = tpu.sem_alloc : memref<!tpu.dma_semaphore, #tpu.memory_space<semaphore_mem>>
        %dma_start3A = arith.constant 9984 : i32
        %dma_start3A_16 = arith.constant 0 : i32
        %dma_start3A_17 = tpu.memref_slice %arg5[%arg0, %dma_start3A, %dma_start3A_16] : memref<2x10000x128xf32, #tpu.memory_space<hbm>> -> memref<1x16x128xf32, #tpu.memory_space<hbm>>
        %dma_start3A_18 = tpu.memref_squeeze %dma_start3A_17 : memref<1x16x128xf32, #tpu.memory_space<hbm>> -> memref<16x128xf32, #tpu.memory_space<hbm>>
        %dma_start3A_19 = arith.constant 9984 : i32
        %dma_start3A_20 = arith.constant 0 : i32
        %dma_start3A_21 = tpu.memref_slice %arg9[%dma_start3A_19, %dma_start3A_20] : memref<10008x128xf32, #tpu.memory_space<vmem_shared>> -> memref<16x128xf32, #tpu.memory_space<vmem_shared>>
        tpu.enqueue_dma source(%dma_start3A_21 : memref<16x128xf32, #tpu.memory_space<vmem_shared>>) target(%dma_start3A_18 : memref<16x128xf32, #tpu.memory_space<hbm>>) target_semaphore(%run_scoped3A : memref<!tpu.dma_semaphore, #tpu.memory_space<semaphore_mem>>)
        %dma_wait3A = arith.constant 9984 : i32
        %dma_wait3A_22 = arith.constant 0 : i32
        %dma_wait3A_23 = tpu.memref_slice %arg5[%arg0, %dma_wait3A, %dma_wait3A_22] : memref<2x10000x128xf32, #tpu.memory_space<hbm>> -> memref<1x16x128xf32, #tpu.memory_space<hbm>>
        %dma_wait3A_24 = tpu.memref_squeeze %dma_wait3A_23 : memref<1x16x128xf32, #tpu.memory_space<hbm>> -> memref<16x128xf32, #tpu.memory_space<hbm>>
        %dma_wait3A_25 = arith.constant 9984 : i32
        %dma_wait3A_26 = arith.constant 0 : i32
        %dma_wait3A_27 = tpu.memref_slice %arg9[%dma_wait3A_25, %dma_wait3A_26] : memref<10008x128xf32, #tpu.memory_space<vmem_shared>> -> memref<16x128xf32, #tpu.memory_space<vmem_shared>>
        tpu.wait_dma2 semaphore(%run_scoped3A : memref<!tpu.dma_semaphore, #tpu.memory_space<semaphore_mem>>) src(%dma_wait3A_27 : memref<16x128xf32, #tpu.memory_space<vmem_shared>>) dst(%dma_wait3A_24 : memref<16x128xf32, #tpu.memory_space<hbm>>)
        tpu.yield
      }) : () -> ()
    } else {
    }
    return
  }
}

#map = affine_map<(d0, d1) -> (0, 0)>
#map1 = affine_map<(d0, d1) -> (0, 0, 0)>
module attributes {stable_mosaic.version = 14 : i64} {
  func.func @_aggregate(%arg0: i32, %arg1: i32, %arg2: memref<10000x128xf32, #tpu.memory_space<hbm>>, %arg3: memref<32x1x10112xi32, #tpu.memory_space<hbm>>, %arg4: memref<32x1x10112xi32, #tpu.memory_space<hbm>>, %arg5: memref<2x10000x128xf32, #tpu.memory_space<hbm>>, %arg6: memref<1x10112xi32, #tpu.memory_space<vmem>>, %arg7: memref<1x10112xi32, #tpu.memory_space<vmem>>, %arg8: memref<128x128xf32, #tpu.memory_space<vmem>>, %arg9: memref<10008x128xf32, #tpu.memory_space<vmem_shared>>, %arg10: memref<!tpu.dma_semaphore, #tpu.memory_space<semaphore_mem>>) attributes {dimension_semantics = [#tpu.dimension_semantics<core_parallel>, #tpu.dimension_semantics<subcore_parallel>], iteration_bounds = array<i64: 2, 16>, scalar_prefetch = 0 : i64, scratch_operands = 5 : i64, tpu.core_type = #tpu.core_type<sc_vector_subcore>, window_params = [{transform_indices = #map}, {transform_indices = #map1}, {transform_indices = #map1}, {transform_indices = #map1}]} {
    %mul3A = arith.constant 16 : i32
    %mul3A_0 = arith.muli %arg0, %mul3A : i32
    %add3A = arith.addi %mul3A_0, %arg1 : i32
    %mul3A_1 = arith.constant 624 : i32
    %mul3A_2 = arith.muli %arg1, %mul3A_1 : i32
    "tpu.region"() ({
      %run_scoped3A = tpu.sem_alloc : memref<!tpu.dma_semaphore, #tpu.memory_space<semaphore_mem>>
      %dma_start3A = arith.constant 0 : i32
      %dma_start3A_16 = arith.constant 0 : i32
      %dma_start3A_17 = tpu.memref_slice %arg3[%add3A, %dma_start3A, %dma_start3A_16] : memref<32x1x10112xi32, #tpu.memory_space<hbm>> -> memref<1x1x10112xi32, #tpu.memory_space<hbm>>
      %dma_start3A_18 = tpu.memref_squeeze %dma_start3A_17 : memref<1x1x10112xi32, #tpu.memory_space<hbm>> -> memref<1x10112xi32, #tpu.memory_space<hbm>>
      %dma_start3A_19 = arith.constant 0 : i32
      %dma_start3A_20 = arith.constant 0 : i32
      %dma_start3A_21 = tpu.memref_slice %arg3[%add3A, %dma_start3A_19, %dma_start3A_20] : memref<32x1x10112xi32, #tpu.memory_space<hbm>> -> memref<1x1x10112xi32, #tpu.memory_space<hbm>>
      %dma_start3A_22 = tpu.memref_squeeze %dma_start3A_21 : memref<1x1x10112xi32, #tpu.memory_space<hbm>> -> memref<1x10112xi32, #tpu.memory_space<hbm>>
      tpu.enqueue_dma source(%dma_start3A_22 : memref<1x10112xi32, #tpu.memory_space<hbm>>) target(%arg6 : memref<1x10112xi32, #tpu.memory_space<vmem>>) target_semaphore(%run_scoped3A : memref<!tpu.dma_semaphore, #tpu.memory_space<semaphore_mem>>)
      %dma_wait3A = arith.constant 0 : i32
      %dma_wait3A_23 = arith.constant 0 : i32
      %dma_wait3A_24 = tpu.memref_slice %arg3[%add3A, %dma_wait3A, %dma_wait3A_23] : memref<32x1x10112xi32, #tpu.memory_space<hbm>> -> memref<1x1x10112xi32, #tpu.memory_space<hbm>>
      %dma_wait3A_25 = tpu.memref_squeeze %dma_wait3A_24 : memref<1x1x10112xi32, #tpu.memory_space<hbm>> -> memref<1x10112xi32, #tpu.memory_space<hbm>>
      %dma_wait3A_26 = arith.constant 0 : i32
      %dma_wait3A_27 = arith.constant 0 : i32
      %dma_wait3A_28 = tpu.memref_slice %arg3[%add3A, %dma_wait3A_26, %dma_wait3A_27] : memref<32x1x10112xi32, #tpu.memory_space<hbm>> -> memref<1x1x10112xi32, #tpu.memory_space<hbm>>
      %dma_wait3A_29 = tpu.memref_squeeze %dma_wait3A_28 : memref<1x1x10112xi32, #tpu.memory_space<hbm>> -> memref<1x10112xi32, #tpu.memory_space<hbm>>
      tpu.wait_dma2 semaphore(%run_scoped3A : memref<!tpu.dma_semaphore, #tpu.memory_space<semaphore_mem>>) src(%dma_wait3A_29 : memref<1x10112xi32, #tpu.memory_space<hbm>>) dst(%arg6 : memref<1x10112xi32, #tpu.memory_space<vmem>>)
      tpu.yield
    }) : () -> ()
    "tpu.region"() ({
      %run_scoped3A = tpu.sem_alloc : memref<!tpu.dma_semaphore, #tpu.memory_space<semaphore_mem>>
      %dma_start3A = arith.constant 0 : i32
      %dma_start3A_16 = arith.constant 0 : i32
      %dma_start3A_17 = tpu.memref_slice %arg4[%add3A, %dma_start3A, %dma_start3A_16] : memref<32x1x10112xi32, #tpu.memory_space<hbm>> -> memref<1x1x10112xi32, #tpu.memory_space<hbm>>
      %dma_start3A_18 = tpu.memref_squeeze %dma_start3A_17 : memref<1x1x10112xi32, #tpu.memory_space<hbm>> -> memref<1x10112xi32, #tpu.memory_space<hbm>>
      %dma_start3A_19 = arith.constant 0 : i32
      %dma_start3A_20 = arith.constant 0 : i32
      %dma_start3A_21 = tpu.memref_slice %arg4[%add3A, %dma_start3A_19, %dma_start3A_20] : memref<32x1x10112xi32, #tpu.memory_space<hbm>> -> memref<1x1x10112xi32, #tpu.memory_space<hbm>>
      %dma_start3A_22 = tpu.memref_squeeze %dma_start3A_21 : memref<1x1x10112xi32, #tpu.memory_space<hbm>> -> memref<1x10112xi32, #tpu.memory_space<hbm>>
      tpu.enqueue_dma source(%dma_start3A_22 : memref<1x10112xi32, #tpu.memory_space<hbm>>) target(%arg7 : memref<1x10112xi32, #tpu.memory_space<vmem>>) target_semaphore(%run_scoped3A : memref<!tpu.dma_semaphore, #tpu.memory_space<semaphore_mem>>)
      %dma_wait3A = arith.constant 0 : i32
      %dma_wait3A_23 = arith.constant 0 : i32
      %dma_wait3A_24 = tpu.memref_slice %arg4[%add3A, %dma_wait3A, %dma_wait3A_23] : memref<32x1x10112xi32, #tpu.memory_space<hbm>> -> memref<1x1x10112xi32, #tpu.memory_space<hbm>>
      %dma_wait3A_25 = tpu.memref_squeeze %dma_wait3A_24 : memref<1x1x10112xi32, #tpu.memory_space<hbm>> -> memref<1x10112xi32, #tpu.memory_space<hbm>>
      %dma_wait3A_26 = arith.constant 0 : i32
      %dma_wait3A_27 = arith.constant 0 : i32
      %dma_wait3A_28 = tpu.memref_slice %arg4[%add3A, %dma_wait3A_26, %dma_wait3A_27] : memref<32x1x10112xi32, #tpu.memory_space<hbm>> -> memref<1x1x10112xi32, #tpu.memory_space<hbm>>
      %dma_wait3A_29 = tpu.memref_squeeze %dma_wait3A_28 : memref<1x1x10112xi32, #tpu.memory_space<hbm>> -> memref<1x10112xi32, #tpu.memory_space<hbm>>
      tpu.wait_dma2 semaphore(%run_scoped3A : memref<!tpu.dma_semaphore, #tpu.memory_space<semaphore_mem>>) src(%dma_wait3A_29 : memref<1x10112xi32, #tpu.memory_space<hbm>>) dst(%arg7 : memref<1x10112xi32, #tpu.memory_space<vmem>>)
      tpu.yield
    }) : () -> ()
    "tpu.region"() ({
      %run_scoped3A = tpu.sem_alloc : memref<!tpu.dma_semaphore, #tpu.memory_space<semaphore_mem>>
      %dma_start3A = arith.constant 0 : i32
      %dma_start3A_16 = tpu.memref_slice %arg9[%mul3A_2, %dma_start3A] : memref<10008x128xf32, #tpu.memory_space<vmem_shared>> -> memref<624x128xf32, #tpu.memory_space<vmem_shared>>
      %dma_start3A_17 = arith.constant 0 : i32
      %dma_start3A_18 = tpu.memref_slice %arg2[%mul3A_2, %dma_start3A_17] : memref<10000x128xf32, #tpu.memory_space<hbm>> -> memref<624x128xf32, #tpu.memory_space<hbm>>
      tpu.enqueue_dma source(%dma_start3A_18 : memref<624x128xf32, #tpu.memory_space<hbm>>) target(%dma_start3A_16 : memref<624x128xf32, #tpu.memory_space<vmem_shared>>) target_semaphore(%run_scoped3A : memref<!tpu.dma_semaphore, #tpu.memory_space<semaphore_mem>>)
      %dma_wait3A = arith.constant 0 : i32
      %dma_wait3A_19 = tpu.memref_slice %arg9[%mul3A_2, %dma_wait3A] : memref<10008x128xf32, #tpu.memory_space<vmem_shared>> -> memref<624x128xf32, #tpu.memory_space<vmem_shared>>
      %dma_wait3A_20 = arith.constant 0 : i32
      %dma_wait3A_21 = tpu.memref_slice %arg2[%mul3A_2, %dma_wait3A_20] : memref<10000x128xf32, #tpu.memory_space<hbm>> -> memref<624x128xf32, #tpu.memory_space<hbm>>
      tpu.wait_dma2 semaphore(%run_scoped3A : memref<!tpu.dma_semaphore, #tpu.memory_space<semaphore_mem>>) src(%dma_wait3A_21 : memref<624x128xf32, #tpu.memory_space<hbm>>) dst(%dma_wait3A_19 : memref<624x128xf32, #tpu.memory_space<vmem_shared>>)
      tpu.yield
    }) : () -> ()
    %eq3A = arith.constant 0 : i32
    %eq3A_3 = arith.cmpi eq, %arg1, %eq3A : i32
    %convert_element_type3A = arith.extui %eq3A_3 : i1 to i32
    %cond3A = arith.constant 0 : i32
    %cond3A_4 = arith.cmpi ne, %convert_element_type3A, %cond3A : i32
    scf.if %cond3A_4 {
      "tpu.region"() ({
        %run_scoped3A = tpu.sem_alloc : memref<!tpu.dma_semaphore, #tpu.memory_space<semaphore_mem>>
        %dma_start3A = arith.constant 9984 : i32
        %dma_start3A_16 = arith.constant 0 : i32
        %dma_start3A_17 = tpu.memref_slice %arg9[%dma_start3A, %dma_start3A_16] : memref<10008x128xf32, #tpu.memory_space<vmem_shared>> -> memref<16x128xf32, #tpu.memory_space<vmem_shared>>
        %dma_start3A_18 = arith.constant 9984 : i32
        %dma_start3A_19 = arith.constant 0 : i32
        %dma_start3A_20 = tpu.memref_slice %arg2[%dma_start3A_18, %dma_start3A_19] : memref<10000x128xf32, #tpu.memory_space<hbm>> -> memref<16x128xf32, #tpu.memory_space<hbm>>
        tpu.enqueue_dma source(%dma_start3A_20 : memref<16x128xf32, #tpu.memory_space<hbm>>) target(%dma_start3A_17 : memref<16x128xf32, #tpu.memory_space<vmem_shared>>) target_semaphore(%run_scoped3A : memref<!tpu.dma_semaphore, #tpu.memory_space<semaphore_mem>>)
        %dma_wait3A = arith.constant 9984 : i32
        %dma_wait3A_21 = arith.constant 0 : i32
        %dma_wait3A_22 = tpu.memref_slice %arg9[%dma_wait3A, %dma_wait3A_21] : memref<10008x128xf32, #tpu.memory_space<vmem_shared>> -> memref<16x128xf32, #tpu.memory_space<vmem_shared>>
        %dma_wait3A_23 = arith.constant 9984 : i32
        %dma_wait3A_24 = arith.constant 0 : i32
        %dma_wait3A_25 = tpu.memref_slice %arg2[%dma_wait3A_23, %dma_wait3A_24] : memref<10000x128xf32, #tpu.memory_space<hbm>> -> memref<16x128xf32, #tpu.memory_space<hbm>>
        tpu.wait_dma2 semaphore(%run_scoped3A : memref<!tpu.dma_semaphore, #tpu.memory_space<semaphore_mem>>) src(%dma_wait3A_25 : memref<16x128xf32, #tpu.memory_space<hbm>>) dst(%dma_wait3A_22 : memref<16x128xf32, #tpu.memory_space<vmem_shared>>)
        tpu.yield
      }) : () -> ()
    } else {
    }
    %barrier3A = arith.constant 0 : index
    tpu.barrier barrier_id(%barrier3A)
    %scan3A = arith.constant 0 : i32
    %scan3A_5 = arith.constant 0 : i32
    %scan3A_6 = arith.constant 79 : i32
    %scan3A_7 = arith.addi %scan3A_5, %scan3A_6 : i32
    %scan3A_8 = arith.constant 1 : i32
    scf.for %scan3A_16 = %scan3A_5 to %scan3A_7 step %scan3A_8  : i32 {
      %mul3A_17 = arith.constant 128 : i32
      %mul3A_18 = arith.muli %scan3A_16, %mul3A_17 : i32
      %dma_start3A = tpu.memref_slice %arg6[%scan3A, %mul3A_18] : memref<1x10112xi32, #tpu.memory_space<vmem>> -> memref<1x128xi32, #tpu.memory_space<vmem>>
      %dma_start3A_19 = tpu.memref_squeeze %dma_start3A : memref<1x128xi32, #tpu.memory_space<vmem>> -> memref<128xi32, #tpu.memory_space<vmem>>
      %dma_start3A_20 = arith.constant 0 : i32
      %dma_start3A_21 = arith.constant 0 : i32
      %dma_start3A_22 = tpu.memref_slice %arg2[%dma_start3A_20, %dma_start3A_21] : memref<10000x128xf32, #tpu.memory_space<hbm>> -> memref<10000x128xf32, #tpu.memory_space<hbm>>
      tpu.enqueue_indirect_dma source(%dma_start3A_22 : memref<10000x128xf32, #tpu.memory_space<hbm>>) target(%arg8 : memref<128x128xf32, #tpu.memory_space<vmem>>) offsets(%dma_start3A_19 : memref<128xi32, #tpu.memory_space<vmem>>) semaphore(%arg10 : memref<!tpu.dma_semaphore, #tpu.memory_space<semaphore_mem>>)
      %dma_wait3A = tpu.memref_slice %arg6[%scan3A, %mul3A_18] : memref<1x10112xi32, #tpu.memory_space<vmem>> -> memref<1x128xi32, #tpu.memory_space<vmem>>
      %dma_wait3A_23 = tpu.memref_squeeze %dma_wait3A : memref<1x128xi32, #tpu.memory_space<vmem>> -> memref<128xi32, #tpu.memory_space<vmem>>
      %dma_wait3A_24 = arith.constant 0 : i32
      %dma_wait3A_25 = arith.constant 0 : i32
      %dma_wait3A_26 = tpu.memref_slice %arg2[%dma_wait3A_24, %dma_wait3A_25] : memref<10000x128xf32, #tpu.memory_space<hbm>> -> memref<10000x128xf32, #tpu.memory_space<hbm>>
      tpu.wait_indirect_dma semaphore(%arg10 : memref<!tpu.dma_semaphore, #tpu.memory_space<semaphore_mem>>) src(%dma_wait3A_26 : memref<10000x128xf32, #tpu.memory_space<hbm>>) dst(%arg8 : memref<128x128xf32, #tpu.memory_space<vmem>>)
      "tpu.region"() ({
        %run_scoped3A = tpu.sem_alloc : memref<!tpu.dma_semaphore, #tpu.memory_space<semaphore_mem>>
        %dma_start3A_27 = tpu.memref_slice %arg7[%scan3A, %mul3A_18] : memref<1x10112xi32, #tpu.memory_space<vmem>> -> memref<1x128xi32, #tpu.memory_space<vmem>>
        %dma_start3A_28 = tpu.memref_squeeze %dma_start3A_27 : memref<1x128xi32, #tpu.memory_space<vmem>> -> memref<128xi32, #tpu.memory_space<vmem>>
        %dma_start3A_29 = arith.constant 0 : i32
        %dma_start3A_30 = arith.constant 0 : i32
        %dma_start3A_31 = tpu.memref_slice %arg9[%dma_start3A_29, %dma_start3A_30] : memref<10008x128xf32, #tpu.memory_space<vmem_shared>> -> memref<10008x128xf32, #tpu.memory_space<vmem_shared>>
        tpu.enqueue_indirect_dma source(%arg8 : memref<128x128xf32, #tpu.memory_space<vmem>>) target(%dma_start3A_31 : memref<10008x128xf32, #tpu.memory_space<vmem_shared>>) offsets(%dma_start3A_28 : memref<128xi32, #tpu.memory_space<vmem>>) semaphore(%run_scoped3A : memref<!tpu.dma_semaphore, #tpu.memory_space<semaphore_mem>>) {add = true}
        %dma_wait3A_32 = tpu.memref_slice %arg7[%scan3A, %mul3A_18] : memref<1x10112xi32, #tpu.memory_space<vmem>> -> memref<1x128xi32, #tpu.memory_space<vmem>>
        %dma_wait3A_33 = tpu.memref_squeeze %dma_wait3A_32 : memref<1x128xi32, #tpu.memory_space<vmem>> -> memref<128xi32, #tpu.memory_space<vmem>>
        %dma_wait3A_34 = arith.constant 0 : i32
        %dma_wait3A_35 = arith.constant 0 : i32
        %dma_wait3A_36 = tpu.memref_slice %arg9[%dma_wait3A_34, %dma_wait3A_35] : memref<10008x128xf32, #tpu.memory_space<vmem_shared>> -> memref<10008x128xf32, #tpu.memory_space<vmem_shared>>
        tpu.wait_indirect_dma semaphore(%run_scoped3A : memref<!tpu.dma_semaphore, #tpu.memory_space<semaphore_mem>>) src(%arg8 : memref<128x128xf32, #tpu.memory_space<vmem>>) dst(%dma_wait3A_36 : memref<10008x128xf32, #tpu.memory_space<vmem_shared>>)
        tpu.yield
      }) : () -> ()
    }
    %scan3A_9 = arith.constant 79 : i32
    %barrier3A_10 = arith.constant 0 : index
    tpu.barrier barrier_id(%barrier3A_10)
    "tpu.region"() ({
      %run_scoped3A = tpu.sem_alloc : memref<!tpu.dma_semaphore, #tpu.memory_space<semaphore_mem>>
      %dma_start3A = arith.constant 0 : i32
      %dma_start3A_16 = tpu.memref_slice %arg5[%arg0, %mul3A_2, %dma_start3A] : memref<2x10000x128xf32, #tpu.memory_space<hbm>> -> memref<1x624x128xf32, #tpu.memory_space<hbm>>
      %dma_start3A_17 = tpu.memref_squeeze %dma_start3A_16 : memref<1x624x128xf32, #tpu.memory_space<hbm>> -> memref<624x128xf32, #tpu.memory_space<hbm>>
      %dma_start3A_18 = arith.constant 0 : i32
      %dma_start3A_19 = tpu.memref_slice %arg9[%mul3A_2, %dma_start3A_18] : memref<10008x128xf32, #tpu.memory_space<vmem_shared>> -> memref<624x128xf32, #tpu.memory_space<vmem_shared>>
      tpu.enqueue_dma source(%dma_start3A_19 : memref<624x128xf32, #tpu.memory_space<vmem_shared>>) target(%dma_start3A_17 : memref<624x128xf32, #tpu.memory_space<hbm>>) target_semaphore(%run_scoped3A : memref<!tpu.dma_semaphore, #tpu.memory_space<semaphore_mem>>)
      %dma_wait3A = arith.constant 0 : i32
      %dma_wait3A_20 = tpu.memref_slice %arg5[%arg0, %mul3A_2, %dma_wait3A] : memref<2x10000x128xf32, #tpu.memory_space<hbm>> -> memref<1x624x128xf32, #tpu.memory_space<hbm>>
      %dma_wait3A_21 = tpu.memref_squeeze %dma_wait3A_20 : memref<1x624x128xf32, #tpu.memory_space<hbm>> -> memref<624x128xf32, #tpu.memory_space<hbm>>
      %dma_wait3A_22 = arith.constant 0 : i32
      %dma_wait3A_23 = tpu.memref_slice %arg9[%mul3A_2, %dma_wait3A_22] : memref<10008x128xf32, #tpu.memory_space<vmem_shared>> -> memref<624x128xf32, #tpu.memory_space<vmem_shared>>
      tpu.wait_dma2 semaphore(%run_scoped3A : memref<!tpu.dma_semaphore, #tpu.memory_space<semaphore_mem>>) src(%dma_wait3A_23 : memref<624x128xf32, #tpu.memory_space<vmem_shared>>) dst(%dma_wait3A_21 : memref<624x128xf32, #tpu.memory_space<hbm>>)
      tpu.yield
    }) : () -> ()
    %eq3A_11 = arith.constant 0 : i32
    %eq3A_12 = arith.cmpi eq, %arg1, %eq3A_11 : i32
    %convert_element_type3A_13 = arith.extui %eq3A_12 : i1 to i32
    %cond3A_14 = arith.constant 0 : i32
    %cond3A_15 = arith.cmpi ne, %convert_element_type3A_13, %cond3A_14 : i32
    scf.if %cond3A_15 {
      "tpu.region"() ({
        %run_scoped3A = tpu.sem_alloc : memref<!tpu.dma_semaphore, #tpu.memory_space<semaphore_mem>>
        %dma_start3A = arith.constant 9984 : i32
        %dma_start3A_16 = arith.constant 0 : i32
        %dma_start3A_17 = tpu.memref_slice %arg5[%arg0, %dma_start3A, %dma_start3A_16] : memref<2x10000x128xf32, #tpu.memory_space<hbm>> -> memref<1x16x128xf32, #tpu.memory_space<hbm>>
        %dma_start3A_18 = tpu.memref_squeeze %dma_start3A_17 : memref<1x16x128xf32, #tpu.memory_space<hbm>> -> memref<16x128xf32, #tpu.memory_space<hbm>>
        %dma_start3A_19 = arith.constant 9984 : i32
        %dma_start3A_20 = arith.constant 0 : i32
        %dma_start3A_21 = tpu.memref_slice %arg9[%dma_start3A_19, %dma_start3A_20] : memref<10008x128xf32, #tpu.memory_space<vmem_shared>> -> memref<16x128xf32, #tpu.memory_space<vmem_shared>>
        tpu.enqueue_dma source(%dma_start3A_21 : memref<16x128xf32, #tpu.memory_space<vmem_shared>>) target(%dma_start3A_18 : memref<16x128xf32, #tpu.memory_space<hbm>>) target_semaphore(%run_scoped3A : memref<!tpu.dma_semaphore, #tpu.memory_space<semaphore_mem>>)
        %dma_wait3A = arith.constant 9984 : i32
        %dma_wait3A_22 = arith.constant 0 : i32
        %dma_wait3A_23 = tpu.memref_slice %arg5[%arg0, %dma_wait3A, %dma_wait3A_22] : memref<2x10000x128xf32, #tpu.memory_space<hbm>> -> memref<1x16x128xf32, #tpu.memory_space<hbm>>
        %dma_wait3A_24 = tpu.memref_squeeze %dma_wait3A_23 : memref<1x16x128xf32, #tpu.memory_space<hbm>> -> memref<16x128xf32, #tpu.memory_space<hbm>>
        %dma_wait3A_25 = arith.constant 9984 : i32
        %dma_wait3A_26 = arith.constant 0 : i32
        %dma_wait3A_27 = tpu.memref_slice %arg9[%dma_wait3A_25, %dma_wait3A_26] : memref<10008x128xf32, #tpu.memory_space<vmem_shared>> -> memref<16x128xf32, #tpu.memory_space<vmem_shared>>
        tpu.wait_dma2 semaphore(%run_scoped3A : memref<!tpu.dma_semaphore, #tpu.memory_space<semaphore_mem>>) src(%dma_wait3A_27 : memref<16x128xf32, #tpu.memory_space<vmem_shared>>) dst(%dma_wait3A_24 : memref<16x128xf32, #tpu.memory_space<hbm>>)
        tpu.yield
      }) : () -> ()
    } else {
    }
    return
  }
}

module attributes {stable_mosaic.version = 14 : i64} {
  func.func @_mm_body(%arg0: i32, %arg1: memref<2x400x128xf32, #tpu.memory_space<vmem>>, %arg2: memref<400x128xf32, #tpu.memory_space<vmem>>, %arg3: memref<128x128xf32, #tpu.memory_space<vmem>>, %arg4: memref<400x128xf32, #tpu.memory_space<vmem>>) attributes {dimension_semantics = [#tpu.dimension_semantics<arbitrary>], iteration_bounds = array<i64: 25>, scalar_prefetch = 0 : i64, scratch_operands = 0 : i64, tpu.core_type = #tpu.core_type<tc>, window_params = [{transform_indices = @transform_0, window_bounds = array<i64: 2, 400, 128>}, {transform_indices = @transform_1, window_bounds = array<i64: 400, 128>}, {pipeline_mode = #tpu.pipeline_mode<synchronous>, transform_indices = @transform_2, window_bounds = array<i64: 128, 128>}, {transform_indices = @transform_3, window_bounds = array<i64: 400, 128>}]} {
    %get3A = arith.constant 0 : index
    %get3A_0 = arith.constant 0 : index
    %get3A_1 = arith.constant 0 : index
    %get3A_2 = vector.load %arg1[%get3A, %get3A_0, %get3A_1] : memref<2x400x128xf32, #tpu.memory_space<vmem>>, vector<1x400x128xf32>
    %get3A_3 = vector.shape_cast %get3A_2 : vector<1x400x128xf32> to vector<400x128xf32>
    %get3A_4 = arith.constant 1 : index
    %get3A_5 = arith.constant 0 : index
    %get3A_6 = arith.constant 0 : index
    %get3A_7 = vector.load %arg1[%get3A_4, %get3A_5, %get3A_6] : memref<2x400x128xf32, #tpu.memory_space<vmem>>, vector<1x400x128xf32>
    %get3A_8 = vector.shape_cast %get3A_7 : vector<1x400x128xf32> to vector<400x128xf32>
    %add3A = arith.addf %get3A_3, %get3A_8 : vector<400x128xf32>
    %get3A_9 = arith.constant 0 : index
    %get3A_10 = arith.constant 0 : index
    %get3A_11 = vector.load %arg2[%get3A_9, %get3A_10] : memref<400x128xf32, #tpu.memory_space<vmem>>, vector<400x128xf32>
    %sub3A = arith.subf %add3A, %get3A_11 : vector<400x128xf32>
    %get3A_12 = arith.constant 0 : index
    %get3A_13 = arith.constant 0 : index
    %get3A_14 = vector.load %arg3[%get3A_12, %get3A_13] : memref<128x128xf32, #tpu.memory_space<vmem>>, vector<128x128xf32>
    %dot_general3A = arith.constant dense<0.000000e+00> : vector<400x128xf32>
    %dot_general3A_15 = tpu.matmul %sub3A, %get3A_14, %dot_general3A {dimension_numbers = #tpu.dot_dimension_numbers<[1], [1], [0], [0], [0, 0, 1, 0], [], []>, precision = #tpu.contract_precision<fp32>, transpose_lhs_hint = false} : vector<400x128xf32>, vector<128x128xf32>, vector<400x128xf32> -> vector<400x128xf32>
    %max3A = arith.constant 0.000000e+00 : f32
    %max3A_16 = vector.broadcast %max3A : f32 to vector<400x128xf32>
    %max3A_17 = arith.maximumf %dot_general3A_15, %max3A_16 : vector<400x128xf32>
    %swap3A = arith.constant 0 : index
    %swap3A_18 = arith.constant 0 : index
    %swap3A_19 = vector.load %arg4[%swap3A, %swap3A_18] : memref<400x128xf32, #tpu.memory_space<vmem>>, vector<400x128xf32>
    tpu.vector_store %arg4[%swap3A, %swap3A_18], %max3A_17 {strides = array<i32>} : memref<400x128xf32, #tpu.memory_space<vmem>>, vector<400x128xf32>,
    return
  }
  func.func @transform_0(%arg0: i32) -> (i32, i32, i32) {
    %c0_i32 = arith.constant 0 : i32
    %c0_i32_0 = arith.constant 0 : i32
    %c0_i32_1 = arith.constant 0 : i32
    return %c0_i32, %arg0, %c0_i32_0 : i32, i32, i32
  }
  func.func @transform_1(%arg0: i32) -> (i32, i32) {
    %c0_i32 = arith.constant 0 : i32
    %c0_i32_0 = arith.constant 0 : i32
    return %arg0, %c0_i32 : i32, i32
  }
  func.func @transform_2(%arg0: i32) -> (i32, i32) {
    %c0_i32 = arith.constant 0 : i32
    %c0_i32_0 = arith.constant 0 : i32
    %c0_i32_1 = arith.constant 0 : i32
    return %c0_i32, %c0_i32_0 : i32, i32
  }
  func.func @transform_3(%arg0: i32) -> (i32, i32) {
    %c0_i32 = arith.constant 0 : i32
    %c0_i32_0 = arith.constant 0 : i32
    return %arg0, %c0_i32 : i32, i32
  }
}

</mosaic_0001>

<sc_bundles>
// kernel: kernel.6.cloned.1.call-start
scs
__scs_entry_jumppad:
0x0: {  	(pc) =	sbr.rel $0x88, $3  }
0x1: {  	(tag) =	ssettag $0x0;
	lr =	simm.s32 $0x1  }
0x2: {  	[smem:$0x3F9D] =	sst lr;
	_ =	strace $0xD0000000  }
0x3: {  	_ = 	snop  }
0x4: {  	_ = 	snop  }
0x5: {  	_ = 	snop  }
0x6: {  	_ = 	snop  }
0x7: {  	_ = 	snop  }
__scs_overlays_trampoline_lowered:
0x8: {  	[smem:$0x3FAC] =	sst s0  }
0x9: {  	[smem:$0x3FAD] =	sst s1  }
0xa: {  	[smem:$0x3FAE] =	sst s2  }
0xb: {  	[smem:$0x3FAF] =	sst s3  }
0xc: {  	[smem:$0x3FB0] =	sst s4  }
0xd: {  	[smem:$0x3FB1] =	sst s5  }
0xe: {  	[smem:$0x3FB2] =	sst s6  }
0xf: {  	[smem:$0x3FB3] =	sst s7  }
0x10: {  	[smem:$0x3FB4] =	sst s8  }
0x11: {  	[smem:$0x3FB5] =	sst s9;
	s0 =	simm.s32 @!p0 $0x0  }
0x12: {  	s1 =	sld [smem:$0x3F9B];
	s0 =	simm.s32 @p0 $0x1  }
0x13: {  	[smem:$0x3FB6] =	sst s0;
	s0 =	simm.s32 @!p1 $0x0  }
0x14: {  	s2 =	sld [smem:$0x3F9A];
	s0 =	simm.s32 @p1 $0x1  }
0x15: {  	[smem:$0x3FB7] =	sst s0;
	s0 =	simm.s32 @!p2 $0x0  }
0x16: {  	s3 =	sld [smem:$0x3FDB];
	s0 =	simm.s32 @p2 $0x1  }
0x17: {  	s4 =	simm.s32 $0x1BF5;
	[smem:$0x3FB9] =	sst s0  }
0x18: {  	s0 =	sld [smem:$0x3F9C];
	_ =	swait.ge [sflag:s4], $0x0  }
0x19: {  	s7 =	sld [smem:$0x3F9D]  }
0x1a: {  	s8 =	sadd.s32 $0xFFFFE003, lr  }
0x1b: {  	s9 =	sadd.s32 $0xFFFFFEF7, lr;
	s5 =	simm.s32 $0xFFFFFFFF;
	p2 =	slt.u32 s8, $0xFFFFF086  }
0x1c: {  	p1 =	slt.u32 s9, $0xF7A;
	s5 =	simm.s32 @!p2 $0x0  }
0x1d: {  	s5 =	simm.s32 @p1 $0x1;
	p0 =	seq.s32 s7, s2  }
0x1e: {  	s7 =	smul.u32 @!p0 $0xF7A, s2;
	p2 =	seq.s32 @!p0 s5, $0x0  }
0x1f: {  	s9 =	smul.u32 $0xF7A, s1;
	s8 =	simm.s32 @!p0 $0x1BF5;
	p2 =	por !p2, p0  }
0x20: {  	[sflag:s8] =	ssyncset.s32 @!p0 $0xFFFFF086;
	s6 =	sadd.s32 @!p0 s3, s7;
	s7 =	simm.s32 @!p0 $0x108  }
0x21: {  	s3 =	sadd.s32 s3, s9;
	s6 =	sadd.s32 @!p0 $0x88, s6;
	s7 =	simm.s32 @p2 $0x1082  }
0x22: {  	[simem:s7], [sflag:s8] =	dma.local @!p0 [hbm:s6], $0xF7A  }
0x23: {  	s9 =	sor.u32 $0xD0000000, s2;
	s6 =	simm.s32 $0x108;
	_ =	swait.ge @!p0 [sflag:s8], $0x0  }
0x24: {  	s3 =	sadd.s32 $0x88, s3;
	s6 =	simm.s32 @!p1 $0x1082;
	[sflag:s4] =	ssyncset.s32 $0xFFFFF086  }
0x25: {  	[simem:s6], [sflag:s4] =	dma.local [hbm:s3], $0xF7A  }
0x26: {  	[smem:$0x3F9D] =	sst s1;
	(tag) =	ssettag s2;
	_ =	strace s9  }
0x27: {  	s1 =	sld [smem:$0x3FAD]  }
0x28: {  	s2 =	sld [smem:$0x3FAE]  }
0x29: {  	s4 =	sld [smem:$0x3FB0]  }
0x2a: {  	p0 =	seq.s32 s5, $0x0;
	s5 =	sld [smem:$0x3FB1]  }
0x2b: {  	s6 =	sld [smem:$0x3FB2]  }
0x2c: {  	s7 =	sld [smem:$0x3FB3]  }
0x2d: {  	s3 =	simm.s32 $0x108;
	s8 =	sld [smem:$0x3FB4]  }
0x2e: {  	s3 =	simm.s32 @!p0 $0x1082;
	s9 =	sld [smem:$0x3FB5]  }
0x2f: {  	lr =	sadd.s32 s0, s3;
	s0 =	sld [smem:$0x3FAC]  }
0x30: {  	s3 =	sld [smem:$0x3FAF]  }
0x31: {  	[smem:$0x3FB8] =	sst s10  }
0x32: {  	s10 =	sld [smem:$0x3FB6];
	_ =	sdelay $0x3  }
0x33: {  	p0 =	seq.s32 s10, $0x1;
	s10 =	sld [smem:$0x3FB8];
	_ =	sdelay $0x3  }
0x34: {  	[smem:$0x3FB8] =	sst s10  }
0x35: {  	s10 =	sld [smem:$0x3FB7];
	_ =	sdelay $0x3  }
0x36: {  	p1 =	seq.s32 s10, $0x1;
	s10 =	sld [smem:$0x3FB8];
	_ =	sdelay $0x3  }
0x37: {  	[smem:$0x3FB8] =	sst s10  }
0x38: {  	s10 =	sld [smem:$0x3FB9]  }
0x39: {  	_ = 	snop;
	(pc) =	sbr.ind lr, $3  }
0x3a: {  	_ = 	snop  }
0x3b: {  	_ = 	snop  }
0x3c: {  	p2 =	seq.s32 s10, $0x1;
	s10 =	sld [smem:$0x3FB8]  }
0x3d: {  	_ =	shalt  }
0x3e: {  	_ =	shalt  }
0x3f: {  	_ =	shalt  }
0x40: {  	_ =	shalt  }
0x41: {  	_ =	shalt  }
0x42: {  	_ =	shalt  }
0x43: {  	_ =	shalt  }
0x44: {  	_ =	shalt  }
0x45: {  	_ =	shalt  }
0x46: {  	_ =	shalt  }
0x47: {  	_ =	shalt  }
0x48: {  	_ =	shalt  }
0x49: {  	_ =	shalt  }
0x4a: {  	_ =	shalt  }
0x4b: {  	_ =	shalt  }
0x4c: {  	_ =	shalt  }
0x4d: {  	_ =	shalt  }
0x4e: {  	_ =	shalt  }
0x4f: {  	_ =	shalt  }
0x50: {  	_ =	shalt  }
0x51: {  	_ =	shalt  }
0x52: {  	_ =	shalt  }
0x53: {  	_ =	shalt  }
0x54: {  	_ =	shalt  }
0x55: {  	_ =	shalt  }
0x56: {  	_ =	shalt  }
0x57: {  	_ =	shalt  }
0x58: {  	_ =	shalt  }
0x59: {  	_ =	shalt  }
0x5a: {  	_ =	shalt  }
0x5b: {  	_ =	shalt  }
0x5c: {  	_ =	shalt  }
0x5d: {  	_ =	shalt  }
0x5e: {  	_ =	shalt  }
0x5f: {  	_ =	shalt  }
0x60: {  	_ =	shalt  }
0x61: {  	_ =	shalt  }
0x62: {  	_ =	shalt  }
0x63: {  	_ =	shalt  }
0x64: {  	_ =	shalt  }
0x65: {  	_ =	shalt  }
0x66: {  	_ =	shalt  }
0x67: {  	_ =	shalt  }
0x68: {  	_ =	shalt  }
0x69: {  	_ =	shalt  }
0x6a: {  	_ =	shalt  }
0x6b: {  	_ =	shalt  }
0x6c: {  	_ =	shalt  }
0x6d: {  	_ =	shalt  }
0x6e: {  	_ =	shalt  }
0x6f: {  	_ =	shalt  }
0x70: {  	_ =	shalt  }
0x71: {  	_ =	shalt  }
0x72: {  	_ =	shalt  }
0x73: {  	_ =	shalt  }
0x74: {  	_ =	shalt  }
0x75: {  	_ =	shalt  }
0x76: {  	_ =	shalt  }
0x77: {  	_ =	shalt  }
0x78: {  	_ =	shalt  }
0x79: {  	_ =	shalt  }
0x7a: {  	_ =	shalt  }
0x7b: {  	_ =	shalt  }
0x7c: {  	_ =	shalt  }
0x7d: {  	_ =	shalt  }
0x7e: {  	_ =	shalt  }
0x7f: {  	_ =	shalt  }
0x80: {  	_ =	shalt  }
0x81: {  	_ =	shalt  }
0x82: {  	_ =	shalt  }
0x83: {  	_ =	shalt  }
0x84: {  	_ =	shalt  }
0x85: {  	_ =	shalt  }
0x86: {  	_ =	shalt  }
0x87: {  	_ =	shalt  }
.Lfunc_end0:
.L_simem_size_0:
called_computation_lowered:
.L_overlay_start_0:
0x88: {  	s2 =	sld [smem:$0x3FD9]  }
0x89: {  	s3 =	sld [smem:$0x3FFE];
	_ =	sdelay $0x1  }
0x8a: {  	s1 =	srdreg.scid  }
0x8b: {  	s0 =	sand.u32 $0x1, s1  }
0x8c: {  	s17 =	sshll.u32 s0, $0xA;
	s2 =	sadd.s32 s3, s2  }
0x8d: {  	s2 =	sadd.s32 s2, s17  }
0x8e: {  	[smem:$0x3FC4] =	sst s2  }
0x8f: {  	_ = 	snop  }
0x90: {  	s2 =	sld [smem:$0x3FC9]  }
0x91: {  	s18 =	sld [smem:$0x3FD0];
	(tm) =	ssettm $0x1  }
0x92: {  	s4 =	sld [smem:$0x3FFB];
	_ =	sdelay $0x3  }
0x93: {  	_ =	strace s4  }
0x94: {  	s4 =	sld [smem:$0x3FFC];
	_ =	sdelay $0x3  }
0x95: {  	_ =	strace s4  }
0x96: {  	s4 =	sld [smem:$0x3FFD];
	_ =	sdelay $0x3  }
0x97: {  	_ =	strace s4  }
0x98: {  	_ =	strace $0x8FFFFFFF  }
0x99: {  	s19 =	sld [smem:$0x3FDB];
	_ =	sdelay $0x1  }
0x9a: {  	s5 =	simm.s32 $_scs_section_size  }
0x9b: {  	s6 =	simm.s32 $_size__tile_overlayer_lowered;
	s7 =	simm.s32 $_tile_overlayer_lowered  }
0x9c: {  	s22 =	simm.s32 $0x1BFF;
	s21 =	sshll.u32 s7, $0x1;
	s4 =	sadd.s32 s5, s19  }
0x9d: {  	s8 =	simm.s32 $0x0;
	s20 =	sshll.u32 s6, $0x1;
	s6 =	sadd.s32 s21, s4  }
0x9e: {  	[timem:s8], [sflag:s22] =	dma.local [hbm:s6], s20  }
0x9f: {  	_ =	swait.ge [sflag:s22], s20  }
0xa0: {  	s5 =	ssub.s32 $0x0, s20;
	[sflag:s22] =	ssyncset.done $0x0  }
0xa1: {  	[sflag:s22] =	ssyncadd.s32 s5;
	_ =	sdelay $0x1  }
0xa2: {  	s23 =	simm.s32 $0x1B8B  }
0xa3: {  	_ =	swait.ge [sflag:s23], $0x1  }
0xa4: {  	[sflag:s23] =	ssyncset.done $0x0  }
0xa5: {  	s25 =	simm.s32 $0x1B8E;
	s24 =	sld [smem:$0x3FFE];
	[sflag:s23] =	ssyncadd.s32 $0xFFFFFFFF  }
0xa6: {  	s26 =	simm.s32 $execute0_lowered;
	[smem:$0x3FD2] =	sst s25  }
0xa7: {  	s6 =	sshll.u32 s26, $0x1;
	_ =	strace $0x80000046;
	[dreg:$0x1] =	wrdreg $0xFFFFFFFF  }
0xa8: {  	s28 =	simm.s32 $_size_execute0_lowered;
	s4 =	sadd.s32 s4, s6;
	[dreg:$0x0] =	wrdreg $0x0  }
0xa9: {  	s6 =	sshll.u32 s28, $0x1;
	[dreg:$0x2] =	wrdreg s4  }
0xaa: {  	[dreg:$0x3] =	wrdreg s6  }
0xab: {  	[dreg:$0x4] =	wrdreg $0xC0  }
0xac: {  	_ =	task [dreg:s8], $0x5FFFF  }
0xad: {  	[dreg:$0x1] =	wrdreg $0xFFFFFFFF  }
0xae: {  	[dreg:$0x0] =	wrdreg $0x60  }
0xaf: {  	[dreg:$0x2] =	wrdreg s2  }
0xb0: {  	[dreg:$0x3] =	wrdreg s24  }
0xb1: {  	[dreg:$0x4] =	wrdreg s18  }
0xb2: {  	[dreg:$0x5] =	wrdreg $0x8F000  }
0xb3: {  	[dreg:$0x6] =	wrdreg $0x9  }
0xb4: {  	_ =	task.clear_ibuf [dreg:s8], $0x7FFFF;
	_ =	strace $0x90000046  }
0xb5: {  	s29 =	simm.s32 $0x9;
	_ =	strace $0x80000048  }
0xb6: {  	_ =	swait.ge [sflag:s29], $0x1  }
0xb7: {  	[sflag:s29] =	ssyncadd.s32 $0xFFFFFFFF  }
0xb8: {  	_ =	strace $0x90000048  }
0xb9: {  	_ =	sfence  }
0xba: {  	s30 =	sld [smem:$0x0];
	_ =	sdelay $0x2  }
0xbb: {  	s31 =	sshll.u32 s1, $0xD;
	s1 =	sshrl.u32 s1, $0x2  }
0xbc: {  	s3 =	sand.u32 $0x4000, s31;
	s1 =	sadd.s32 s1, s30  }
0xbd: {  	s0 =	sor.u32 s3, s0;
	s1 =	sshll.u32 s1, $0x11  }
0xbe: {  	s0 =	sor.u32 s1, s0  }
0xbf: {  	s0 =	sadd.s32 $0x8F2B, s0  }
0xc0: {  	[sflag:s0] =	ssyncadd.remote.s32 $0x1  }
0xc1: {  	_ =	sfence.sel $0xFFFF  }
0xc2: {  	[dreg:$0x0] =	wrdreg $0xFFFFFFFF;
	(pc) =	sbr.abs _section_cstart, $3  }
0xc3: {  	[dreg:$0x1] =	wrdreg $0xFFFFFFFF  }
0xc4: {  	_ =	task.clear_ibuf [dreg:s8], $0x2FFFF;
	_ =	strace $0x9FFFFFFF  }
0xc5: {  	(tm) =	ssettm $0x7FFFFFFF  }
tec
execute0_lowered:
.L_overlay_start_1:
0x0: {  	(tag) =	ssettag $0x1  }
0x1: {  	s0 =	rddreg [dreg:$0x0]  }
0x2: {  	s4 =	rddreg [dreg:$0x1]  }
0x3: {  	s8 =	rddreg [dreg:$0x2]  }
0x4: {  	s1 =	srdreg.scid;
	s2 =	rddreg [dreg:$0x3]  }
0x5: {  	s11 =	stileid.u32;
	s3 =	simm.s32 $0x0;
	s16 =	simm.s32 $0x80  }
0x6: {  	s17 =	simm.s32 $0x4F00;
	s18 =	simm.s32 $0x1;
	s19 =	simm.s32 $0x0  }
0x7: {  	s5 =	sand.u32 $0x1, s1;
	s1 =	rddreg [dreg:$0x4];
	s10 =	smul.u32 $0x4E000, s11  }
0x8: {  	[smem:$0x7FF] =	sst s3;
	s25 =	smul.u32 $0x13800, s11;
	s15 =	sadd.s32 $0x138000, s2  }
0x9: {  	p0 =	sne.s32 s11, $0x0;
	s13 =	sshll.u32 s11, $0x6;
	s6 =	sshll.u32 s5, $0x4  }
0xa: {  	s7 =	ssub.s32 $0x2, s5;
	_ =	strace $0x80000047;
	s28 =	smul.u32 $0x138800, s5  }
0xb: {  	s13 =	sor.u32 $0x1C02, s13;
	s15 =	sshrl.u32 @!p0 s15, $0x3;
	s6 =	sor.u32 s11, s6  }
0xc: {  	s9 =	sshrl.u32 s7, $0x1;
	s26 =	sshrl.u32 s10, $0x2;
	s29 =	sshrl.u32 s25, $0x3  }
0xd: {  	s11 =	simm.s32 $0x2;
	s6 =	smul.u32 $0x4F0, s6;
	s12 =	ssub.s32 s7, s9  }
0xe: {  	s14 =	sadd.s32 s26, s2;
	s7 =	sadd.s32 s25, s28;
	s30 =	sshrl.u32 s28, $0x3  }
0xf: {  	s31 =	sshrl.u32 s7, $0x3;
	s9 =	sadd.s32 s8, s30;
	s7 =	sadd.s32 $0x27000, s0  }
0x10: {  	s10 =	smax.u32 s12, $0x1;
	s12 =	simm.s32 $0x2780;
	s14 =	sshrl.u32 s14, $0x3  }
0x11: {  	s6 =	sadd.s32 s6, s4;
	s8 =	sadd.s32 s8, s31;
	s9 =	sadd.s32 $0x27000, s9  }
0x12: {  	s4 =	sadd.s32 $0x1000, s6;
	s5 =	sadd.s32 $0xAE00, s6;
	s6 =	sadd.s32 s0, s29  }
.LBB2_1:
0x13: {  	[tilespmem:s3], [sflag:$0x2] =	stream.linear.gather [hbm4b:s4+s3], $0x2780, $0x38;
	[tilespmem:$0x1C7C0] =	vst v63  }
0x14: {  	_ =	swait.ge [sflag:s11], $0x2780  }
0x15: {  	[sflag:s11] =	ssyncset.done $0x0  }
0x16: {  	[sflag:s11] =	ssyncadd.s32 $0xFFFFD880  }
0x17: {  	[tilespmem:s12], [sflag:$0x2] =	stream.linear.gather [hbm4b:s5+s3], $0x2780, $0x38;
	[tilespmem:$0x1C7C0] =	vst v63  }
0x18: {  	_ =	swait.ge [sflag:s11], $0x2780  }
0x19: {  	[sflag:s11] =	ssyncset.done $0x0  }
0x1a: {  	[sflag:s11] =	ssyncadd.s32 $0xFFFFD880  }
0x1b: {  	[spmem:s14], [sflag:s13] =	dma.local [hbm:s6], $0x2700  }
0x1c: {  	_ =	swait.ge [sflag:s11], $0x2700  }
0x1d: {  	[sflag:s11] =	ssyncset.done $0x0  }
0x1e: {  	s20 =	simm.s32 @!p0 $0x2;
	[sflag:s11] =	ssyncadd.s32 $0xFFFFD900  }
0x1f: {  	[spmem:s15], [sflag:s13] =	dma.local @!p0 [hbm:s7], $0x100  }
0x20: {  	_ =	swait.ge @!p0 [sflag:s20], $0x100  }
0x21: {  	[sflag:s20] =	ssyncset.done @!p0 $0x0  }
0x22: {  	[sflag:s20] =	ssyncadd.s32 @!p0 $0xFFFFFF00  }
0x23: {  	s30 =	simm.s32 $0x0;
	[bflag:$0x0] =	sbarrier.arrive $0xFFFF  }
0x24: {  	[tilespmem:s17], [sflag:$0x1] =	stream.indirect.gather [hbm4b:s0+s16], $0x80, s30, s16, $0xb8;
	[tilespmem:$0x1C7C0] =	vst v63  }
0x25: {  	_ =	swait.ge [sflag:s18], $0x4000  }
0x26: {  	[sflag:s18] =	ssyncset.done $0x0  }
0x27: {  	s31 =	simm.s32 $0x2780;
	[sflag:s18] =	ssyncadd.s32 $0xFFFFC000  }
0x28: {  	[spmem:s2] =	stream.indirect.scatter.add.f32 [tilespmem:s17], [sflag:$0x2], $0x80, s31, s16, $0xb8;
	[tilespmem:$0x1C7C0] =	vst v63  }
0x29: {  	_ =	swait.ge [sflag:s11], $0x4000  }
0x2a: {  	s21 =	simm.s32 $0x400;
	s20 =	simm.s32 $0x200;
	[sflag:s11] =	ssyncset.done $0x0  }
.LBB2_2:
0x2b: {  	s22 =	sshra.s32 s20, $0x2  }
0x2c: {  	[sflag:s11] =	ssyncadd.s32 $0xFFFFC000;
	s20 =	smov.u32 s21;
	s23 =	sadd.s32 $0x200, s21  }
0x2d: {  	[tilespmem:s17], [sflag:$0x1] =	stream.indirect.gather [hbm4b:s0+s16], $0x80, s22, s16, $0xb8;
	[tilespmem:$0x1C7C0] =	vst v63  }
0x2e: {  	p1 =	sne.s32 s21, $0x9C00;
	_ =	swait.ge [sflag:s18], $0x4000  }
.Ltmp0:
0x2f: {  	[sflag:s18] =	ssyncset.done $0x0;
	(pc) =	sbr.rel @p1 .LBB2_2-.Ltmp0, $4  }
0x30: {  	s21 =	sadd.s32 $0x2780, s22;
	[sflag:s18] =	ssyncadd.s32 $0xFFFFC000  }
0x31: {  	[spmem:s2] =	stream.indirect.scatter.add.f32 [tilespmem:s17], [sflag:$0x2], $0x80, s21, s16, $0xb8;
	[tilespmem:$0x1C7C0] =	vst v63  }
0x32: {  	_ =	swait.ge [sflag:s11], $0x4000  }
0x33: {  	s21 =	smov.u32 s23;
	[sflag:s11] =	ssyncset.done $0x0  }
0x34: {  	s20 =	sshra.s32 s20, $0x2;
	[sflag:s11] =	ssyncadd.s32 $0xFFFFC000  }
0x35: {  	[tilespmem:s17], [sflag:$0x1] =	stream.indirect.gather [hbm4b:s0+s16], $0x80, s20, s16, $0xb8;
	[tilespmem:$0x1C7C0] =	vst v63  }
0x36: {  	_ =	swait.ge [sflag:s18], $0x4000  }
0x37: {  	[sflag:s18] =	ssyncset.done $0x0  }
0x38: {  	s20 =	sadd.s32 $0x2780, s20;
	[sflag:s18] =	ssyncadd.s32 $0xFFFFC000  }
0x39: {  	[spmem:s2] =	stream.indirect.scatter.add.f32 [tilespmem:s17], [sflag:$0x2], $0x80, s20, s16, $0xb8;
	[tilespmem:$0x1C7C0] =	vst v63  }
0x3a: {  	_ =	swait.ge [sflag:s11], $0x4000  }
0x3b: {  	[sflag:s11] =	ssyncset.done $0x0  }
0x3c: {  	[sflag:s11] =	ssyncadd.s32 $0xFFFFC000  }
0x3d: {  	[bflag:$0x0] =	sbarrier.arrive $0xFFFF  }
0x3e: {  	[hbm:s8], [sflag:s13] =	dma.local [spmem:s14], $0x2700  }
0x3f: {  	s19 =	sadd.s32 $0x1, s19;
	_ =	swait.ge [sflag:s11], $0x2700  }
0x40: {  	p1 =	sne.s32 s19, s10;
	[sflag:s11] =	ssyncset.done $0x0  }
.Ltmp1:
0x41: {  	s20 =	simm.s32 @!p0 $0x2;
	[sflag:s11] =	ssyncadd.s32 $0xFFFFD900;
	(pc) =	sbr.rel @p1 .LBB2_1-.Ltmp1, $4  }
0x42: {  	[hbm:s9], [sflag:s13] =	dma.local @!p0 [spmem:s15], $0x100  }
0x43: {  	_ =	swait.ge @!p0 [sflag:s20], $0x100  }
0x44: {  	[sflag:s20] =	ssyncset.done @!p0 $0x0  }
0x45: {  	[sflag:s20] =	ssyncadd.s32 @!p0 $0xFFFFFF00  }
0x46: {  	_ =	sfence.sel $0x180000  }
0x47: {  	[bflag:$0x0] =	sbarrier.arrive $0xFFFF  }
0x48: {  	_ =	strace $0x90000047  }
0x49: {  	s0 =	sadd.s32 @!p0 $0x100000, s1;
	[bflag:$0x2] =	sbarrier.arrive $0xFFFF  }
0x4a: {  	[sflag:s0] =	ssyncadd.tile.s32 @!p0 $0x1;
	_ =	shalt  }
.Lfunc_end2:
_tile_overlayer_lowered:
.L_overlay_start_2:
0x4b: {  	(tag) =	ssettag $0x2  }
0x4c: {  	s0 =	rddreg [dreg:$0x0];
	s2 =	stileid.u32  }
0x4d: {  	s1 =	rddreg [dreg:$0x1];
	p0 =	sne.s32 s2, $0x0  }
0x4e: {  	s3 =	rddreg [dreg:$0x2];
	[bflag:$0x3] =	sbarrier.arrive $0xFFFF;
	s2 =	simm.s32 @!p0 $0x1C02  }
0x4f: {  	[timem:s3], [sflag:s2] =	dma.local @!p0 [hbm:s0], s1  }
0x50: {  	s0 =	simm.s32 @!p0 $0x2  }
0x51: {  	_ =	swait.ge @!p0 [sflag:s0], s1  }
0x52: {  	s1 =	ssub.s32 @!p0 $0x0, s1;
	[sflag:s0] =	ssyncset.done @!p0 $0x0  }
0x53: {  	[sflag:s0] =	ssyncadd.s32 @!p0 s1  }
0x54: {  	[bflag:$0x3] =	sbarrier.arrive $0xFFFF  }
0x55: {  	_ =	shalt  }

// kernel: kernel.9.cloned.1.call-start
scs
__scs_entry_jumppad:
0x0: {  	(pc) =	sbr.rel $0x88, $3  }
0x1: {  	(tag) =	ssettag $0x0;
	lr =	simm.s32 $0x1  }
0x2: {  	[smem:$0x3F9D] =	sst lr;
	_ =	strace $0xD0000000  }
0x3: {  	_ = 	snop  }
0x4: {  	_ = 	snop  }
0x5: {  	_ = 	snop  }
0x6: {  	_ = 	snop  }
0x7: {  	_ = 	snop  }
__scs_overlays_trampoline_lowered:
0x8: {  	[smem:$0x3FAC] =	sst s0  }
0x9: {  	[smem:$0x3FAD] =	sst s1  }
0xa: {  	[smem:$0x3FAE] =	sst s2  }
0xb: {  	[smem:$0x3FAF] =	sst s3  }
0xc: {  	[smem:$0x3FB0] =	sst s4  }
0xd: {  	[smem:$0x3FB1] =	sst s5  }
0xe: {  	[smem:$0x3FB2] =	sst s6  }
0xf: {  	[smem:$0x3FB3] =	sst s7  }
0x10: {  	[smem:$0x3FB4] =	sst s8  }
0x11: {  	[smem:$0x3FB5] =	sst s9;
	s0 =	simm.s32 @!p0 $0x0  }
0x12: {  	s1 =	sld [smem:$0x3F9B];
	s0 =	simm.s32 @p0 $0x1  }
0x13: {  	[smem:$0x3FB6] =	sst s0;
	s0 =	simm.s32 @!p1 $0x0  }
0x14: {  	s2 =	sld [smem:$0x3F9A];
	s0 =	simm.s32 @p1 $0x1  }
0x15: {  	[smem:$0x3FB7] =	sst s0;
	s0 =	simm.s32 @!p2 $0x0  }
0x16: {  	s3 =	sld [smem:$0x3FDB];
	s0 =	simm.s32 @p2 $0x1  }
0x17: {  	s4 =	simm.s32 $0x1BF5;
	[smem:$0x3FB9] =	sst s0  }
0x18: {  	s0 =	sld [smem:$0x3F9C];
	_ =	swait.ge [sflag:s4], $0x0  }
0x19: {  	s7 =	sld [smem:$0x3F9D]  }
0x1a: {  	s8 =	sadd.s32 $0xFFFFE003, lr  }
0x1b: {  	s9 =	sadd.s32 $0xFFFFFEF7, lr;
	s5 =	simm.s32 $0xFFFFFFFF;
	p2 =	slt.u32 s8, $0xFFFFF086  }
0x1c: {  	p1 =	slt.u32 s9, $0xF7A;
	s5 =	simm.s32 @!p2 $0x0  }
0x1d: {  	s5 =	simm.s32 @p1 $0x1;
	p0 =	seq.s32 s7, s2  }
0x1e: {  	s7 =	smul.u32 @!p0 $0xF7A, s2;
	p2 =	seq.s32 @!p0 s5, $0x0  }
0x1f: {  	s9 =	smul.u32 $0xF7A, s1;
	s8 =	simm.s32 @!p0 $0x1BF5;
	p2 =	por !p2, p0  }
0x20: {  	[sflag:s8] =	ssyncset.s32 @!p0 $0xFFFFF086;
	s6 =	sadd.s32 @!p0 s3, s7;
	s7 =	simm.s32 @!p0 $0x108  }
0x21: {  	s3 =	sadd.s32 s3, s9;
	s6 =	sadd.s32 @!p0 $0x88, s6;
	s7 =	simm.s32 @p2 $0x1082  }
0x22: {  	[simem:s7], [sflag:s8] =	dma.local @!p0 [hbm:s6], $0xF7A  }
0x23: {  	s9 =	sor.u32 $0xD0000000, s2;
	s6 =	simm.s32 $0x108;
	_ =	swait.ge @!p0 [sflag:s8], $0x0  }
0x24: {  	s3 =	sadd.s32 $0x88, s3;
	s6 =	simm.s32 @!p1 $0x1082;
	[sflag:s4] =	ssyncset.s32 $0xFFFFF086  }
0x25: {  	[simem:s6], [sflag:s4] =	dma.local [hbm:s3], $0xF7A  }
0x26: {  	[smem:$0x3F9D] =	sst s1;
	(tag) =	ssettag s2;
	_ =	strace s9  }
0x27: {  	s1 =	sld [smem:$0x3FAD]  }
0x28: {  	s2 =	sld [smem:$0x3FAE]  }
0x29: {  	s4 =	sld [smem:$0x3FB0]  }
0x2a: {  	p0 =	seq.s32 s5, $0x0;
	s5 =	sld [smem:$0x3FB1]  }
0x2b: {  	s6 =	sld [smem:$0x3FB2]  }
0x2c: {  	s7 =	sld [smem:$0x3FB3]  }
0x2d: {  	s3 =	simm.s32 $0x108;
	s8 =	sld [smem:$0x3FB4]  }
0x2e: {  	s3 =	simm.s32 @!p0 $0x1082;
	s9 =	sld [smem:$0x3FB5]  }
0x2f: {  	lr =	sadd.s32 s0, s3;
	s0 =	sld [smem:$0x3FAC]  }
0x30: {  	s3 =	sld [smem:$0x3FAF]  }
0x31: {  	[smem:$0x3FB8] =	sst s10  }
0x32: {  	s10 =	sld [smem:$0x3FB6];
	_ =	sdelay $0x3  }
0x33: {  	p0 =	seq.s32 s10, $0x1;
	s10 =	sld [smem:$0x3FB8];
	_ =	sdelay $0x3  }
0x34: {  	[smem:$0x3FB8] =	sst s10  }
0x35: {  	s10 =	sld [smem:$0x3FB7];
	_ =	sdelay $0x3  }
0x36: {  	p1 =	seq.s32 s10, $0x1;
	s10 =	sld [smem:$0x3FB8];
	_ =	sdelay $0x3  }
0x37: {  	[smem:$0x3FB8] =	sst s10  }
0x38: {  	s10 =	sld [smem:$0x3FB9]  }
0x39: {  	_ = 	snop;
	(pc) =	sbr.ind lr, $3  }
0x3a: {  	_ = 	snop  }
0x3b: {  	_ = 	snop  }
0x3c: {  	p2 =	seq.s32 s10, $0x1;
	s10 =	sld [smem:$0x3FB8]  }
0x3d: {  	_ =	shalt  }
0x3e: {  	_ =	shalt  }
0x3f: {  	_ =	shalt  }
0x40: {  	_ =	shalt  }
0x41: {  	_ =	shalt  }
0x42: {  	_ =	shalt  }
0x43: {  	_ =	shalt  }
0x44: {  	_ =	shalt  }
0x45: {  	_ =	shalt  }
0x46: {  	_ =	shalt  }
0x47: {  	_ =	shalt  }
0x48: {  	_ =	shalt  }
0x49: {  	_ =	shalt  }
0x4a: {  	_ =	shalt  }
0x4b: {  	_ =	shalt  }
0x4c: {  	_ =	shalt  }
0x4d: {  	_ =	shalt  }
0x4e: {  	_ =	shalt  }
0x4f: {  	_ =	shalt  }
0x50: {  	_ =	shalt  }
0x51: {  	_ =	shalt  }
0x52: {  	_ =	shalt  }
0x53: {  	_ =	shalt  }
0x54: {  	_ =	shalt  }
0x55: {  	_ =	shalt  }
0x56: {  	_ =	shalt  }
0x57: {  	_ =	shalt  }
0x58: {  	_ =	shalt  }
0x59: {  	_ =	shalt  }
0x5a: {  	_ =	shalt  }
0x5b: {  	_ =	shalt  }
0x5c: {  	_ =	shalt  }
0x5d: {  	_ =	shalt  }
0x5e: {  	_ =	shalt  }
0x5f: {  	_ =	shalt  }
0x60: {  	_ =	shalt  }
0x61: {  	_ =	shalt  }
0x62: {  	_ =	shalt  }
0x63: {  	_ =	shalt  }
0x64: {  	_ =	shalt  }
0x65: {  	_ =	shalt  }
0x66: {  	_ =	shalt  }
0x67: {  	_ =	shalt  }
0x68: {  	_ =	shalt  }
0x69: {  	_ =	shalt  }
0x6a: {  	_ =	shalt  }
0x6b: {  	_ =	shalt  }
0x6c: {  	_ =	shalt  }
0x6d: {  	_ =	shalt  }
0x6e: {  	_ =	shalt  }
0x6f: {  	_ =	shalt  }
0x70: {  	_ =	shalt  }
0x71: {  	_ =	shalt  }
0x72: {  	_ =	shalt  }
0x73: {  	_ =	shalt  }
0x74: {  	_ =	shalt  }
0x75: {  	_ =	shalt  }
0x76: {  	_ =	shalt  }
0x77: {  	_ =	shalt  }
0x78: {  	_ =	shalt  }
0x79: {  	_ =	shalt  }
0x7a: {  	_ =	shalt  }
0x7b: {  	_ =	shalt  }
0x7c: {  	_ =	shalt  }
0x7d: {  	_ =	shalt  }
0x7e: {  	_ =	shalt  }
0x7f: {  	_ =	shalt  }
0x80: {  	_ =	shalt  }
0x81: {  	_ =	shalt  }
0x82: {  	_ =	shalt  }
0x83: {  	_ =	shalt  }
0x84: {  	_ =	shalt  }
0x85: {  	_ =	shalt  }
0x86: {  	_ =	shalt  }
0x87: {  	_ =	shalt  }
.Lfunc_end0:
.L_simem_size_0:
called_computation.1_lowered:
.L_overlay_start_0:
0x88: {  	s2 =	sld [smem:$0x3FD9]  }
0x89: {  	s3 =	sld [smem:$0x3FFE];
	_ =	sdelay $0x1  }
0x8a: {  	s1 =	srdreg.scid  }
0x8b: {  	s0 =	sand.u32 $0x1, s1  }
0x8c: {  	s17 =	sshll.u32 s0, $0xA;
	s2 =	sadd.s32 s3, s2  }
0x8d: {  	s2 =	sadd.s32 s2, s17  }
0x8e: {  	[smem:$0x3FC4] =	sst s2  }
0x8f: {  	_ = 	snop  }
0x90: {  	s2 =	sld [smem:$0x3FD0];
	(tm) =	ssettm $0x1  }
0x91: {  	s18 =	sld [smem:$0x3FFB];
	_ =	sdelay $0x3  }
0x92: {  	_ =	strace s18  }
0x93: {  	s3 =	sld [smem:$0x3FFC];
	_ =	sdelay $0x3  }
0x94: {  	_ =	strace s3  }
0x95: {  	s3 =	sld [smem:$0x3FFD];
	_ =	sdelay $0x3  }
0x96: {  	_ =	strace s3  }
0x97: {  	_ =	strace $0x8FFFFFFF  }
0x98: {  	s19 =	sld [smem:$0x3FDB];
	_ =	sdelay $0x1  }
0x99: {  	s4 =	simm.s32 $_scs_section_size  }
0x9a: {  	s5 =	simm.s32 $_size__tile_overlayer_lowered;
	s6 =	simm.s32 $_tile_overlayer_lowered  }
0x9b: {  	s22 =	simm.s32 $0x1BFF;
	s21 =	sshll.u32 s6, $0x1;
	s3 =	sadd.s32 s4, s19  }
0x9c: {  	s7 =	simm.s32 $0x0;
	s20 =	sshll.u32 s5, $0x1;
	s5 =	sadd.s32 s21, s3  }
0x9d: {  	[timem:s7], [sflag:s22] =	dma.local [hbm:s5], s20  }
0x9e: {  	_ =	swait.ge [sflag:s22], s20  }
0x9f: {  	s4 =	ssub.s32 $0x0, s20;
	[sflag:s22] =	ssyncset.done $0x0  }
0xa0: {  	[sflag:s22] =	ssyncadd.s32 s4;
	_ =	sdelay $0x1  }
0xa1: {  	s23 =	simm.s32 $0x1B8B  }
0xa2: {  	_ =	swait.ge [sflag:s23], $0x1  }
0xa3: {  	[sflag:s23] =	ssyncset.done $0x0  }
0xa4: {  	s25 =	simm.s32 $0x1B8E;
	s24 =	sld [smem:$0x3FFE];
	[sflag:s23] =	ssyncadd.s32 $0xFFFFFFFF  }
0xa5: {  	s26 =	simm.s32 $execute0_lowered;
	[smem:$0x3FD2] =	sst s25  }
0xa6: {  	s5 =	sshll.u32 s26, $0x1;
	_ =	strace $0x80000049;
	[dreg:$0x1] =	wrdreg $0xFFFFFFFF  }
0xa7: {  	s28 =	simm.s32 $_size_execute0_lowered;
	s3 =	sadd.s32 s3, s5;
	[dreg:$0x0] =	wrdreg $0x0  }
0xa8: {  	s5 =	sshll.u32 s28, $0x1;
	[dreg:$0x2] =	wrdreg s3  }
0xa9: {  	[dreg:$0x3] =	wrdreg s5  }
0xaa: {  	[dreg:$0x4] =	wrdreg $0xC0  }
0xab: {  	_ =	task [dreg:s7], $0x5FFFF  }
0xac: {  	[dreg:$0x1] =	wrdreg $0xFFFFFFFF  }
0xad: {  	[dreg:$0x0] =	wrdreg $0x60  }
0xae: {  	[dreg:$0x2] =	wrdreg s24  }
0xaf: {  	[dreg:$0x3] =	wrdreg s2  }
0xb0: {  	[dreg:$0x4] =	wrdreg $0x8F000  }
0xb1: {  	[dreg:$0x5] =	wrdreg $0x9  }
0xb2: {  	_ =	task.clear_ibuf [dreg:s7], $0x6FFFF;
	_ =	strace $0x90000049  }
0xb3: {  	s29 =	simm.s32 $0x9;
	_ =	strace $0x8000004B  }
0xb4: {  	_ =	swait.ge [sflag:s29], $0x1  }
0xb5: {  	[sflag:s29] =	ssyncadd.s32 $0xFFFFFFFF  }
0xb6: {  	_ =	strace $0x9000004B  }
0xb7: {  	_ =	sfence  }
0xb8: {  	s30 =	sld [smem:$0x0];
	_ =	sdelay $0x2  }
0xb9: {  	s31 =	sshll.u32 s1, $0xD;
	s1 =	sshrl.u32 s1, $0x2  }
0xba: {  	s3 =	sand.u32 $0x4000, s31;
	s1 =	sadd.s32 s1, s30  }
0xbb: {  	s0 =	sor.u32 s3, s0;
	s1 =	sshll.u32 s1, $0x11  }
0xbc: {  	s0 =	sor.u32 s1, s0  }
0xbd: {  	s0 =	sadd.s32 $0x8F2B, s0  }
0xbe: {  	[sflag:s0] =	ssyncadd.remote.s32 $0x1  }
0xbf: {  	_ =	sfence.sel $0xFFFF  }
0xc0: {  	[dreg:$0x0] =	wrdreg $0xFFFFFFFF;
	(pc) =	sbr.abs _section_cstart, $3  }
0xc1: {  	[dreg:$0x1] =	wrdreg $0xFFFFFFFF  }
0xc2: {  	_ =	task.clear_ibuf [dreg:s7], $0x2FFFF;
	_ =	strace $0x9FFFFFFF  }
0xc3: {  	(tm) =	ssettm $0x7FFFFFFF  }
tec
execute0_lowered:
.L_overlay_start_1:
0x0: {  	(tag) =	ssettag $0x1  }
0x1: {  	s7 =	rddreg [dreg:$0x0]  }
0x2: {  	s8 =	rddreg [dreg:$0x1]  }
0x3: {  	s1 =	rddreg [dreg:$0x2]  }
0x4: {  	s2 =	srdreg.scid;
	s0 =	rddreg [dreg:$0x3]  }
0x5: {  	s11 =	stileid.u32;
	s16 =	simm.s32 $0x80;
	s17 =	simm.s32 $0x4F00  }
0x6: {  	s18 =	simm.s32 $0x1;
	s19 =	simm.s32 $0x0;
	s10 =	smul.u32 $0x4E000, s11  }
0x7: {  	s5 =	sand.u32 $0x1, s2;
	s2 =	simm.s32 $0x0;
	s26 =	smul.u32 $0x13800, s11  }
0x8: {  	s15 =	sadd.s32 $0x138000, s1;
	p0 =	sne.s32 s11, $0x0;
	s31 =	sshll.u32 s11, $0x6  }
0x9: {  	s3 =	sshll.u32 s5, $0x4;
	[smem:$0x7FF] =	sst s2;
	s6 =	ssub.s32 $0x2, s5  }
0xa: {  	s29 =	smul.u32 $0x138800, s5;
	s15 =	sshrl.u32 @!p0 s15, $0x3;
	s3 =	sor.u32 s11, s3  }
0xb: {  	_ =	strace $0x8000004A;
	s9 =	sshrl.u32 s6, $0x1;
	s28 =	sshrl.u32 s10, $0x2  }
0xc: {  	s30 =	sshrl.u32 s26, $0x3;
	s11 =	simm.s32 $0x2;
	s4 =	smul.u32 $0x4F0, s3  }
0xd: {  	s3 =	sadd.s32 $0x14C00, s7;
	s13 =	ssub.s32 s6, s9;
	s14 =	sadd.s32 s28, s1  }
0xe: {  	s9 =	sadd.s32 s26, s29;
	s10 =	sshrl.u32 s29, $0x3;
	s6 =	sadd.s32 s3, s30  }
0xf: {  	s9 =	sshrl.u32 s9, $0x3;
	s10 =	sadd.s32 s8, s10;
	s14 =	sshrl.u32 s14, $0x3  }
0x10: {  	s12 =	sadd.s32 s4, s7;
	s7 =	sadd.s32 $0x3BC00, s7;
	s8 =	sadd.s32 s8, s9  }
0x11: {  	s9 =	sadd.s32 $0x27000, s10;
	s10 =	smax.u32 s13, $0x1;
	s13 =	sor.u32 $0x1C02, s31  }
0x12: {  	s4 =	sadd.s32 $0x1000, s12;
	s5 =	sadd.s32 $0xAE00, s12;
	s12 =	simm.s32 $0x2780  }
.LBB2_1:
0x13: {  	[tilespmem:s2], [sflag:$0x2] =	stream.linear.gather [hbm4b:s4+s2], $0x2780, $0x38;
	[tilespmem:$0x1C7C0] =	vst v63  }
0x14: {  	_ =	swait.ge [sflag:s11], $0x2780  }
0x15: {  	[sflag:s11] =	ssyncset.done $0x0  }
0x16: {  	[sflag:s11] =	ssyncadd.s32 $0xFFFFD880  }
0x17: {  	[tilespmem:s12], [sflag:$0x2] =	stream.linear.gather [hbm4b:s5+s2], $0x2780, $0x38;
	[tilespmem:$0x1C7C0] =	vst v63  }
0x18: {  	_ =	swait.ge [sflag:s11], $0x2780  }
0x19: {  	[sflag:s11] =	ssyncset.done $0x0  }
0x1a: {  	[sflag:s11] =	ssyncadd.s32 $0xFFFFD880  }
0x1b: {  	[spmem:s14], [sflag:s13] =	dma.local [hbm:s6], $0x2700  }
0x1c: {  	_ =	swait.ge [sflag:s11], $0x2700  }
0x1d: {  	[sflag:s11] =	ssyncset.done $0x0  }
0x1e: {  	s20 =	simm.s32 @!p0 $0x2;
	[sflag:s11] =	ssyncadd.s32 $0xFFFFD900  }
0x1f: {  	[spmem:s15], [sflag:s13] =	dma.local @!p0 [hbm:s7], $0x100  }
0x20: {  	_ =	swait.ge @!p0 [sflag:s20], $0x100  }
0x21: {  	[sflag:s20] =	ssyncset.done @!p0 $0x0  }
0x22: {  	[sflag:s20] =	ssyncadd.s32 @!p0 $0xFFFFFF00  }
0x23: {  	s30 =	simm.s32 $0x0;
	[bflag:$0x0] =	sbarrier.arrive $0xFFFF  }
0x24: {  	[tilespmem:s17], [sflag:$0x1] =	stream.indirect.gather [hbm4b:s3+s16], $0x80, s30, s16, $0xb8;
	[tilespmem:$0x1C7C0] =	vst v63  }
0x25: {  	_ =	swait.ge [sflag:s18], $0x4000  }
0x26: {  	[sflag:s18] =	ssyncset.done $0x0  }
0x27: {  	s31 =	simm.s32 $0x2780;
	[sflag:s18] =	ssyncadd.s32 $0xFFFFC000  }
0x28: {  	[spmem:s1] =	stream.indirect.scatter.add.f32 [tilespmem:s17], [sflag:$0x2], $0x80, s31, s16, $0xb8;
	[tilespmem:$0x1C7C0] =	vst v63  }
0x29: {  	_ =	swait.ge [sflag:s11], $0x4000  }
0x2a: {  	s21 =	simm.s32 $0x400;
	s20 =	simm.s32 $0x200;
	[sflag:s11] =	ssyncset.done $0x0  }
.LBB2_2:
0x2b: {  	s22 =	sshra.s32 s20, $0x2  }
0x2c: {  	[sflag:s11] =	ssyncadd.s32 $0xFFFFC000;
	s20 =	smov.u32 s21;
	s23 =	sadd.s32 $0x200, s21  }
0x2d: {  	[tilespmem:s17], [sflag:$0x1] =	stream.indirect.gather [hbm4b:s3+s16], $0x80, s22, s16, $0xb8;
	[tilespmem:$0x1C7C0] =	vst v63  }
0x2e: {  	p1 =	sne.s32 s21, $0x9C00;
	_ =	swait.ge [sflag:s18], $0x4000  }
.Ltmp0:
0x2f: {  	[sflag:s18] =	ssyncset.done $0x0;
	(pc) =	sbr.rel @p1 .LBB2_2-.Ltmp0, $4  }
0x30: {  	s21 =	sadd.s32 $0x2780, s22;
	[sflag:s18] =	ssyncadd.s32 $0xFFFFC000  }
0x31: {  	[spmem:s1] =	stream.indirect.scatter.add.f32 [tilespmem:s17], [sflag:$0x2], $0x80, s21, s16, $0xb8;
	[tilespmem:$0x1C7C0] =	vst v63  }
0x32: {  	_ =	swait.ge [sflag:s11], $0x4000  }
0x33: {  	s21 =	smov.u32 s23;
	[sflag:s11] =	ssyncset.done $0x0  }
0x34: {  	s20 =	sshra.s32 s20, $0x2;
	[sflag:s11] =	ssyncadd.s32 $0xFFFFC000  }
0x35: {  	[tilespmem:s17], [sflag:$0x1] =	stream.indirect.gather [hbm4b:s3+s16], $0x80, s20, s16, $0xb8;
	[tilespmem:$0x1C7C0] =	vst v63  }
0x36: {  	_ =	swait.ge [sflag:s18], $0x4000  }
0x37: {  	[sflag:s18] =	ssyncset.done $0x0  }
0x38: {  	s20 =	sadd.s32 $0x2780, s20;
	[sflag:s18] =	ssyncadd.s32 $0xFFFFC000  }
0x39: {  	[spmem:s1] =	stream.indirect.scatter.add.f32 [tilespmem:s17], [sflag:$0x2], $0x80, s20, s16, $0xb8;
	[tilespmem:$0x1C7C0] =	vst v63  }
0x3a: {  	_ =	swait.ge [sflag:s11], $0x4000  }
0x3b: {  	[sflag:s11] =	ssyncset.done $0x0  }
0x3c: {  	[sflag:s11] =	ssyncadd.s32 $0xFFFFC000  }
0x3d: {  	[bflag:$0x0] =	sbarrier.arrive $0xFFFF  }
0x3e: {  	[hbm:s8], [sflag:s13] =	dma.local [spmem:s14], $0x2700  }
0x3f: {  	s19 =	sadd.s32 $0x1, s19;
	_ =	swait.ge [sflag:s11], $0x2700  }
0x40: {  	p1 =	sne.s32 s19, s10;
	[sflag:s11] =	ssyncset.done $0x0  }
.Ltmp1:
0x41: {  	s20 =	simm.s32 @!p0 $0x2;
	[sflag:s11] =	ssyncadd.s32 $0xFFFFD900;
	(pc) =	sbr.rel @p1 .LBB2_1-.Ltmp1, $4  }
0x42: {  	[hbm:s9], [sflag:s13] =	dma.local @!p0 [spmem:s15], $0x100  }
0x43: {  	_ =	swait.ge @!p0 [sflag:s20], $0x100  }
0x44: {  	[sflag:s20] =	ssyncset.done @!p0 $0x0  }
0x45: {  	[sflag:s20] =	ssyncadd.s32 @!p0 $0xFFFFFF00  }
0x46: {  	_ =	sfence.sel $0x180000  }
0x47: {  	[bflag:$0x0] =	sbarrier.arrive $0xFFFF  }
0x48: {  	_ =	strace $0x9000004A  }
0x49: {  	s0 =	sadd.s32 @!p0 $0x100000, s0;
	[bflag:$0x2] =	sbarrier.arrive $0xFFFF  }
0x4a: {  	[sflag:s0] =	ssyncadd.tile.s32 @!p0 $0x1;
	_ =	shalt  }
.Lfunc_end2:
_tile_overlayer_lowered:
.L_overlay_start_2:
0x4b: {  	(tag) =	ssettag $0x2  }
0x4c: {  	s0 =	rddreg [dreg:$0x0];
	s2 =	stileid.u32  }
0x4d: {  	s1 =	rddreg [dreg:$0x1];
	p0 =	sne.s32 s2, $0x0  }
0x4e: {  	s3 =	rddreg [dreg:$0x2];
	[bflag:$0x3] =	sbarrier.arrive $0xFFFF;
	s2 =	simm.s32 @!p0 $0x1C02  }
0x4f: {  	[timem:s3], [sflag:s2] =	dma.local @!p0 [hbm:s0], s1  }
0x50: {  	s0 =	simm.s32 @!p0 $0x2  }
0x51: {  	_ =	swait.ge @!p0 [sflag:s0], s1  }
0x52: {  	s1 =	ssub.s32 @!p0 $0x0, s1;
	[sflag:s0] =	ssyncset.done @!p0 $0x0  }
0x53: {  	[sflag:s0] =	ssyncadd.s32 @!p0 s1  }
0x54: {  	[bflag:$0x3] =	sbarrier.arrive $0xFFFF  }
0x55: {  	_ =	shalt  }

</sc_bundles>
